<compile_context>
chip_gen: v7x
topology: tpu7x:2x2x1
jax: 0.10.2.dev20260603
libtpu: 0.0.44.dev20260713+nightly
codegen_flags: <defaults>
</compile_context>

<pallas_src>
import functools

import jax
import jax.numpy as jnp
from jax import lax
from jax.experimental import pallas as pl
from jax.experimental.pallas import tpu as pltpu
from jax.experimental.pallas import tpu_sc as plsc

N_USERS = 100000
N_ITEMS = 100000
D = 64
B = 4096
HIST = 50
HYPER_APPROX = 0.1
HYPER_PRIOR = 1.0
TAU = 4.0
BETA = 0.25

_NC = 2
_NS = 16
_NW = _NC * _NS
_BPW = B // _NW
_GB = 8

_R = 128
_NT = B // _R
_HP = 56


def _sc_gather_body(uidx_h, iidx_h, hist_h, uemb_h, iemb_h,
                    refer_h, q_h, ie_h, kv_h,
                    idx_v, hist_v, emb_v, rows_v, sem, wsem):
    wid = lax.axis_index("s") * _NC + lax.axis_index("c")
    base = wid * _BPW
    pltpu.sync_copy(uidx_h.at[pl.ds(base, _BPW)], idx_v)
    pltpu.async_copy(hist_h.at[idx_v], hist_v, sem).wait()
    pltpu.sync_copy(hist_v, refer_h.at[pl.ds(base, _BPW)])
    pltpu.async_copy(uemb_h.at[idx_v], emb_v, sem).wait()
    pltpu.sync_copy(emb_v, q_h.at[pl.ds(base, _BPW)])
    pltpu.sync_copy(iidx_h.at[pl.ds(base, _BPW)], idx_v)
    pltpu.async_copy(iemb_h.at[idx_v], emb_v, sem).wait()
    pltpu.sync_copy(emb_v, ie_h.at[pl.ds(base, _BPW)])

    def body(g, carry):
        s = lax.rem(g, 2)
        i0 = g * _GB

        @pl.when(g >= 2)
        def _():
            pltpu.make_async_copy(rows_v.at[s], kv_h.at[pl.ds(base, _GB)],
                                  wsem).wait()

        cps = [pltpu.async_copy(
                   iemb_h.at[hist_v.at[i0 + j, pl.ds(0, _HP)]],
                   rows_v.at[s, j], sem) for j in range(_GB)]
        for cp in cps:
            cp.wait()
        pltpu.async_copy(rows_v.at[s], kv_h.at[pl.ds(base + i0, _GB)], wsem)
        return carry

    ngrp = _BPW // _GB
    lax.fori_loop(0, ngrp, body, 0)
    pltpu.make_async_copy(rows_v.at[0], kv_h.at[pl.ds(base, _GB)], wsem).wait()
    pltpu.make_async_copy(rows_v.at[1], kv_h.at[pl.ds(base, _GB)], wsem).wait()


_sc_gather = functools.partial(
    pl.kernel,
    mesh=plsc.VectorSubcoreMesh(core_axis_name="c", subcore_axis_name="s"),
    compiler_params=pltpu.CompilerParams(use_tc_tiling_on_sc=False),
    out_type=[
        jax.ShapeDtypeStruct((B, D), jnp.int32),
        jax.ShapeDtypeStruct((B, D), jnp.float32),
        jax.ShapeDtypeStruct((B, D), jnp.float32),
        jax.ShapeDtypeStruct((B, _HP, D), jnp.float32),
    ],
    scratch_types=[
        pltpu.VMEM((_BPW,), jnp.int32),
        pltpu.VMEM((_BPW, D), jnp.int32),
        pltpu.VMEM((_BPW, D), jnp.float32),
        pltpu.VMEM((2, _GB, _HP, D), jnp.float32),
        pltpu.SemaphoreType.DMA,
        pltpu.SemaphoreType.DMA,
    ],
)(_sc_gather_body)


def _tc_attend_body(refer_r, iidx_r, q_r, ie_r, kv_r, e1_r, e2_r,
                    W_r, bW_r, vrow_r, bv_r, gu_r, bu_r, gi_r, bi_r,
                    pW_r, pb_r, logit_r, kl_r, mk_r):
    refer = refer_r[...]
    iidx = iidx_r[...]
    valid = lax.broadcasted_iota(jnp.int32, (_R, _HP), 1) < HIST
    mask = jnp.logical_not((refer == iidx) | (refer == N_ITEMS)) & valid
    maskf = mask.astype(jnp.float32)
    q = q_r[...]
    kv = kv_r[...]
    W = W_r[...]
    qw = jnp.dot(q, W[:D], preferred_element_type=jnp.float32)
    kw = jnp.dot(kv.reshape(_R * _HP, D), W[D:],
                 preferred_element_type=jnp.float32).reshape(_R, _HP, D)
    h = jnp.tanh(kw + qw[:, None, :] + bW_r[...][None])
    s = (jnp.sum(h * vrow_r[...][None], axis=-1) + bv_r[...]) / TAU
    s = jnp.where(mask, s, jnp.float32(-1e9))
    m = jnp.max(s, axis=-1, keepdims=True)
    p = jnp.exp(s - m)
    phi = p / jnp.sum(p, axis=-1, keepdims=True)
    phi = phi * maskf
    mu = jnp.log(phi + 1e-10)

    def wavg(eps):
        w = jnp.exp(mu + HYPER_APPROX * eps) * maskf
        w = w / (jnp.sum(w, axis=-1, keepdims=True) + 1e-10)
        return jnp.sum(w[:, :, None] * kv, axis=1)

    out1 = wavg(e1_r[...])
    out2 = wavg(e2_r[...])

    lengths = jnp.sum(maskf, axis=-1, keepdims=True)
    mu_prior = -jnp.log(jnp.maximum(lengths, 1.0))
    kl_c = jnp.float32(jnp.log(HYPER_PRIOR / HYPER_APPROX) - 0.5)
    kl_el = kl_c + (HYPER_APPROX ** 2 + (mu - mu_prior) ** 2) / (2.0 * HYPER_PRIOR ** 2)
    klp = jnp.sum(kl_el * maskf)
    mkp = jnp.sum(maskf)

    def ln(x, g, b):
        mean = jnp.mean(x, axis=-1, keepdims=True)
        var = jnp.mean((x - mean) ** 2, axis=-1, keepdims=True)
        return (x - mean) / jnp.sqrt(var + 1e-5) * g + b

    ue = ln(out1 * q, gu_r[...], bu_r[...])
    ie = ln(out2 * ie_r[...], gi_r[...], bi_r[...])
    pred = ue * ie
    logit_r[...] = jnp.sum(pred * pW_r[...], axis=-1, keepdims=True) + pb_r[...]

    @pl.when(pl.program_id(0) == 0)
    def _():
        kl_r[...] = jnp.zeros((1, 1), jnp.float32)
        mk_r[...] = jnp.zeros((1, 1), jnp.float32)

    kl_r[...] += klp.reshape(1, 1)
    mk_r[...] += mkp.reshape(1, 1)


_tc_attend = pl.pallas_call(
    _tc_attend_body,
    grid=(_NT,),
    in_specs=[
        pl.BlockSpec((_R, _HP), lambda i: (i, 0)),
        pl.BlockSpec((_R, 1), lambda i: (i, 0)),
        pl.BlockSpec((_R, D), lambda i: (i, 0)),
        pl.BlockSpec((_R, D), lambda i: (i, 0)),
        pl.BlockSpec((_R, _HP, D), lambda i: (i, 0, 0)),
        pl.BlockSpec((_R, _HP), lambda i: (i, 0)),
        pl.BlockSpec((_R, _HP), lambda i: (i, 0)),
        pl.BlockSpec((2 * D, D), lambda i: (0, 0)),
        pl.BlockSpec((1, D), lambda i: (0, 0)),
        pl.BlockSpec((1, D), lambda i: (0, 0)),
        pl.BlockSpec((1, 1), lambda i: (0, 0)),
        pl.BlockSpec((1, D), lambda i: (0, 0)),
        pl.BlockSpec((1, D), lambda i: (0, 0)),
        pl.BlockSpec((1, D), lambda i: (0, 0)),
        pl.BlockSpec((1, D), lambda i: (0, 0)),
        pl.BlockSpec((1, D), lambda i: (0, 0)),
        pl.BlockSpec((1, 1), lambda i: (0, 0)),
    ],
    out_specs=[
        pl.BlockSpec((_R, 1), lambda i: (i, 0)),
        pl.BlockSpec((1, 1), lambda i: (0, 0)),
        pl.BlockSpec((1, 1), lambda i: (0, 0)),
    ],
    out_shape=[
        jax.ShapeDtypeStruct((B, 1), jnp.float32),
        jax.ShapeDtypeStruct((1, 1), jnp.float32),
        jax.ShapeDtypeStruct((1, 1), jnp.float32),
    ],
)


def kernel(user_idx, item_idx, user_hist, item_hist, user_embed_w, item_embed_w,
           W_u, bW_u, v_u, bv_u, norm_u_g, norm_u_b, norm_i_g, norm_i_b,
           pred_W, pred_b):
    del item_hist
    uidx = user_idx.astype(jnp.int32)
    iidx = item_idx.astype(jnp.int32)
    hist = jnp.pad(user_hist.astype(jnp.int32), ((0, 0), (0, D - HIST)))
    refer64, q, ie, kv = _sc_gather(uidx, iidx, hist, user_embed_w,
                                    item_embed_w)
    refer = refer64[:, :_HP]
    eps1 = jax.random.normal(jax.random.key(42), (B, HIST), dtype=jnp.float32)
    eps2 = jax.random.normal(jax.random.key(43), (B, HIST), dtype=jnp.float32)
    pad = ((0, 0), (0, _HP - HIST))
    logit2, kls, mks = _tc_attend(
        refer, iidx.reshape(B, 1), q, ie, kv,
        jnp.pad(eps1, pad), jnp.pad(eps2, pad),
        W_u, bW_u.reshape(1, D), v_u.reshape(1, D), bv_u.reshape(1, 1),
        norm_u_g.reshape(1, D), norm_u_b.reshape(1, D),
        norm_i_g.reshape(1, D), norm_i_b.reshape(1, D),
        pred_W.reshape(1, D), pred_b.reshape(1, 1))
    kl = BETA * kls[0, 0] / jnp.maximum(mks[0, 0], 1.0)
    return logit2[:, 0], kl

# --- scband reference (transcript-rebuilt; emitter-appended) ---
"""Pipeline reference for scband-module-9182640079161 (READ-ONLY COPY).

The authoritative reference and input builder live on the scoring server;
editing this copy changes nothing except your own understanding.
"""

import jax, jax.numpy as jnp
import numpy as np

N_USERS = 100000
N_ITEMS = 100000
D = 64
B = 4096
HIST = 50
HYPER_APPROX = 0.1
HYPER_PRIOR = 1.0
TAU = 4.0
BETA = 0.25


def _layernorm(x, g, b):
    m = jnp.mean(x, axis=-1, keepdims=True)
    v = jnp.mean((x - m) ** 2, axis=-1, keepdims=True)
    return (x - m) / jnp.sqrt(v + 1e-5) * g + b


def _bam(Q, K, V, mask, W, bW, v, bv, key, sampling):
    # Bayesian Attention Module, 'concat' (additive) score fn + lognormal sampler
    Bsz, L, d = K.shape
    Qe = jnp.broadcast_to(Q[:, None, :], (Bsz, L, d))
    h = jnp.tanh(jnp.concatenate([Qe, K], axis=-1) @ W + bW)
    scores = (h @ v + bv)[..., 0] / TAU
    scores = jnp.where(mask, scores, -1e9)
    phi = jax.nn.softmax(scores, axis=-1)
    phi = jnp.where(mask, phi, 0.0)
    mu = jnp.log(phi + 1e-10)
    if sampling:
        eps = jax.random.normal(key, phi.shape, dtype=phi.dtype)
        w = jnp.exp(mu + HYPER_APPROX * eps)
    else:
        w = phi
    w = jnp.where(mask, w, 0.0)
    w = w / (jnp.sum(w, axis=-1, keepdims=True) + 1e-10)
    out = jnp.einsum('bl,bld->bd', w, V)
    lengths = jnp.sum(mask, axis=-1, keepdims=True).astype(phi.dtype)
    mu_prior = -jnp.log(jnp.maximum(lengths, 1.0))
    s1, s2 = HYPER_APPROX, HYPER_PRIOR
    kl_el = np.log(s2 / s1) + (s1 ** 2 + (mu - mu_prior) ** 2) / (2.0 * s2 ** 2) - 0.5
    kl = BETA * jnp.sum(jnp.where(mask, kl_el, 0.0)) / jnp.maximum(jnp.sum(mask), 1)
    return out, kl


def setup_inputs(seed: int = 0) -> dict:
    key = jax.random.key(seed)
    ks = jax.random.split(key, 12)
    user_idx = jax.random.randint(ks[0], (B,), 0, N_USERS)
    item_idx = jax.random.randint(ks[1], (B,), 0, N_ITEMS)
    user_hist = jax.random.randint(ks[2], (N_USERS, HIST), 0, N_ITEMS + 1)
    item_hist = jax.random.randint(ks[3], (N_ITEMS, HIST), 0, N_USERS + 1)
    user_embed_w = 0.01 * jax.random.normal(ks[4], (N_USERS + 1, D), dtype=jnp.float32)
    user_embed_w = user_embed_w.at[N_USERS].set(0.0)  # padding_idx row
    item_embed_w = 0.01 * jax.random.normal(ks[5], (N_ITEMS + 1, D), dtype=jnp.float32)
    item_embed_w = item_embed_w.at[N_ITEMS].set(0.0)  # padding_idx row
    s = 1.0 / np.sqrt(2 * D)
    W_u = jax.random.uniform(ks[6], (2 * D, D), minval=-s, maxval=s, dtype=jnp.float32)
    bW_u = jnp.zeros((D,), jnp.float32)
    sv = 1.0 / np.sqrt(D)
    v_u = jax.random.uniform(ks[7], (D, 1), minval=-sv, maxval=sv, dtype=jnp.float32)
    bv_u = jnp.zeros((1,), jnp.float32)
    norm_u_g = jnp.ones((D,), jnp.float32)
    norm_u_b = jnp.zeros((D,), jnp.float32)
    norm_i_g = jnp.ones((D,), jnp.float32)
    norm_i_b = jnp.zeros((D,), jnp.float32)
    pred_W = jax.random.uniform(ks[8], (D, 1), minval=-sv, maxval=sv, dtype=jnp.float32)
    pred_b = jnp.zeros((1,), jnp.float32)
    return {
        'user_idx': user_idx, 'item_idx': item_idx,
        'user_hist': user_hist, 'item_hist': item_hist,
        'user_embed_w': user_embed_w, 'item_embed_w': item_embed_w,
        'W_u': W_u, 'bW_u': bW_u, 'v_u': v_u, 'bv_u': bv_u,
        'norm_u_g': norm_u_g, 'norm_u_b': norm_u_b,
        'norm_i_g': norm_i_g, 'norm_i_b': norm_i_b,
        'pred_W': pred_W, 'pred_b': pred_b,
    }


def reference(user_idx, item_idx, user_hist, item_hist, user_embed_w, item_embed_w,
              W_u, bW_u, v_u, bv_u, norm_u_g, norm_u_b, norm_i_g, norm_i_b, pred_W, pred_b):
    # _hist_idx_slicer: gather ragged history rows + truncate to max valid length
    refer = jnp.take(user_hist, user_idx, axis=0)
    max_len = refer.shape[1]
    refer = refer[:, :max_len]
    # _mask_generator
    mask = ~((refer == item_idx[:, None]) | (refer == N_ITEMS))
    Q = jnp.take(user_embed_w, user_idx, axis=0)
    KV = jnp.take(item_embed_w, refer, axis=0)
    # NOTE: original forward calls user_hist_embed_generator TWICE (uses bam_u both times)
    ue_hist, kl_u = _bam(Q, KV, KV, mask, W_u, bW_u, v_u, bv_u, jax.random.key(42), True)
    ie_hist, kl_i = _bam(Q, KV, KV, mask, W_u, bW_u, v_u, bv_u, jax.random.key(43), True)
    ue = _layernorm(ue_hist * Q, norm_u_g, norm_u_b)
    ie = _layernorm(ie_hist * jnp.take(item_embed_w, item_idx, axis=0), norm_i_g, norm_i_b)
    pred_vec = ue * ie
    logit = (pred_vec @ pred_W + pred_b)[..., 0]
    kl = (kl_u + kl_i) / 2.0
    return logit, kl

if __name__ == "__main__":
    import jax
    _d = setup_inputs()
    print(jax.jit(kernel)(*tuple(_d.values())))

</pallas_src>

<mosaic_0001>
#map = affine_map<(d0, d1) -> (0)>
#map1 = affine_map<(d0, d1) -> (0, 0)>
#map2 = affine_map<(d0, d1) -> (0, 0, 0)>
module attributes {stable_mosaic.version = 14 : i64} {
  func.func @_sc_gather_body(%arg0: i32, %arg1: i32, %arg2: memref<4096xi32, #tpu.memory_space<hbm>>, %arg3: memref<4096xi32, #tpu.memory_space<hbm>>, %arg4: memref<100000x64xi32, #tpu.memory_space<hbm>>, %arg5: memref<100001x64xf32, #tpu.memory_space<hbm>>, %arg6: memref<100001x64xf32, #tpu.memory_space<hbm>>, %arg7: memref<4096x64xi32, #tpu.memory_space<hbm>>, %arg8: memref<4096x64xf32, #tpu.memory_space<hbm>>, %arg9: memref<4096x64xf32, #tpu.memory_space<hbm>>, %arg10: memref<4096x56x64xf32, #tpu.memory_space<hbm>>, %arg11: memref<128xi32, #tpu.memory_space<vmem>>, %arg12: memref<128x64xi32, #tpu.memory_space<vmem>>, %arg13: memref<128x64xf32, #tpu.memory_space<vmem>>, %arg14: memref<2x8x56x64xf32, #tpu.memory_space<vmem>>, %arg15: memref<!tpu.dma_semaphore, #tpu.memory_space<semaphore_mem>>, %arg16: memref<!tpu.dma_semaphore, #tpu.memory_space<semaphore_mem>>) attributes {dimension_semantics = [#tpu.dimension_semantics<core_parallel>, #tpu.dimension_semantics<subcore_parallel>], iteration_bounds = array<i64: 2, 16>, scalar_prefetch = 0 : i64, scratch_operands = 6 : i64, tpu.core_type = #tpu.core_type<sc_vector_subcore>, window_params = [{transform_indices = #map}, {transform_indices = #map}, {transform_indices = #map1}, {transform_indices = #map1}, {transform_indices = #map1}, {transform_indices = #map1}, {transform_indices = #map1}, {transform_indices = #map1}, {transform_indices = #map2}]} {
    %mul3A = arith.constant 2 : i32
    %mul3A_0 = arith.muli %arg1, %mul3A : i32
    %add3A = arith.addi %mul3A_0, %arg0 : i32
    %mul3A_1 = arith.constant 128 : i32
    %mul3A_2 = arith.muli %add3A, %mul3A_1 : i32
    "tpu.region"() ({
      %run_scoped3A = tpu.sem_alloc : memref<!tpu.dma_semaphore, #tpu.memory_space<semaphore_mem>>
      %dma_start3A_58 = tpu.memref_slice %arg2[%mul3A_2] : memref<4096xi32, #tpu.memory_space<hbm>> -> memref<128xi32, #tpu.memory_space<hbm>>
      %dma_start3A_59 = tpu.memref_slice %arg2[%mul3A_2] : memref<4096xi32, #tpu.memory_space<hbm>> -> memref<128xi32, #tpu.memory_space<hbm>>
      tpu.enqueue_dma source(%dma_start3A_59 : memref<128xi32, #tpu.memory_space<hbm>>) target(%arg11 : memref<128xi32, #tpu.memory_space<vmem>>) target_semaphore(%run_scoped3A : memref<!tpu.dma_semaphore, #tpu.memory_space<semaphore_mem>>)
      %dma_wait3A_60 = tpu.memref_slice %arg2[%mul3A_2] : memref<4096xi32, #tpu.memory_space<hbm>> -> memref<128xi32, #tpu.memory_space<hbm>>
      %dma_wait3A_61 = tpu.memref_slice %arg2[%mul3A_2] : memref<4096xi32, #tpu.memory_space<hbm>> -> memref<128xi32, #tpu.memory_space<hbm>>
      tpu.wait_dma2 semaphore(%run_scoped3A : memref<!tpu.dma_semaphore, #tpu.memory_space<semaphore_mem>>) src(%dma_wait3A_61 : memref<128xi32, #tpu.memory_space<hbm>>) dst(%arg11 : memref<128xi32, #tpu.memory_space<vmem>>)
      tpu.yield
    }) : () -> ()
    %dma_start3A = arith.constant 0 : i32
    %dma_start3A_3 = arith.constant 0 : i32
    %dma_start3A_4 = tpu.memref_slice %arg4[%dma_start3A, %dma_start3A_3] : memref<100000x64xi32, #tpu.memory_space<hbm>> -> memref<100000x64xi32, #tpu.memory_space<hbm>>
    tpu.enqueue_indirect_dma source(%dma_start3A_4 : memref<100000x64xi32, #tpu.memory_space<hbm>>) target(%arg12 : memref<128x64xi32, #tpu.memory_space<vmem>>) offsets(%arg11 : memref<128xi32, #tpu.memory_space<vmem>>) semaphore(%arg15 : memref<!tpu.dma_semaphore, #tpu.memory_space<semaphore_mem>>)
    %dma_wait3A = arith.constant 0 : i32
    %dma_wait3A_5 = arith.constant 0 : i32
    %dma_wait3A_6 = tpu.memref_slice %arg4[%dma_wait3A, %dma_wait3A_5] : memref<100000x64xi32, #tpu.memory_space<hbm>> -> memref<100000x64xi32, #tpu.memory_space<hbm>>
    tpu.wait_indirect_dma semaphore(%arg15 : memref<!tpu.dma_semaphore, #tpu.memory_space<semaphore_mem>>) src(%dma_wait3A_6 : memref<100000x64xi32, #tpu.memory_space<hbm>>) dst(%arg12 : memref<128x64xi32, #tpu.memory_space<vmem>>)
    "tpu.region"() ({
      %run_scoped3A = tpu.sem_alloc : memref<!tpu.dma_semaphore, #tpu.memory_space<semaphore_mem>>
      %dma_start3A_58 = arith.constant 0 : i32
      %dma_start3A_59 = tpu.memref_slice %arg7[%mul3A_2, %dma_start3A_58] : memref<4096x64xi32, #tpu.memory_space<hbm>> -> memref<128x64xi32, #tpu.memory_space<hbm>>
      %dma_start3A_60 = arith.constant 0 : i32
      %dma_start3A_61 = tpu.memref_slice %arg7[%mul3A_2, %dma_start3A_60] : memref<4096x64xi32, #tpu.memory_space<hbm>> -> memref<128x64xi32, #tpu.memory_space<hbm>>
      tpu.enqueue_dma source(%arg12 : memref<128x64xi32, #tpu.memory_space<vmem>>) target(%dma_start3A_61 : memref<128x64xi32, #tpu.memory_space<hbm>>) target_semaphore(%run_scoped3A : memref<!tpu.dma_semaphore, #tpu.memory_space<semaphore_mem>>)
      %dma_wait3A_62 = arith.constant 0 : i32
      %dma_wait3A_63 = tpu.memref_slice %arg7[%mul3A_2, %dma_wait3A_62] : memref<4096x64xi32, #tpu.memory_space<hbm>> -> memref<128x64xi32, #tpu.memory_space<hbm>>
      %dma_wait3A_64 = arith.constant 0 : i32
      %dma_wait3A_65 = tpu.memref_slice %arg7[%mul3A_2, %dma_wait3A_64] : memref<4096x64xi32, #tpu.memory_space<hbm>> -> memref<128x64xi32, #tpu.memory_space<hbm>>
      tpu.wait_dma2 semaphore(%run_scoped3A : memref<!tpu.dma_semaphore, #tpu.memory_space<semaphore_mem>>) src(%arg12 : memref<128x64xi32, #tpu.memory_space<vmem>>) dst(%dma_wait3A_65 : memref<128x64xi32, #tpu.memory_space<hbm>>)
      tpu.yield
    }) : () -> ()
    %dma_start3A_7 = arith.constant 0 : i32
    %dma_start3A_8 = arith.constant 0 : i32
    %dma_start3A_9 = tpu.memref_slice %arg5[%dma_start3A_7, %dma_start3A_8] : memref<100001x64xf32, #tpu.memory_space<hbm>> -> memref<100001x64xf32, #tpu.memory_space<hbm>>
    tpu.enqueue_indirect_dma source(%dma_start3A_9 : memref<100001x64xf32, #tpu.memory_space<hbm>>) target(%arg13 : memref<128x64xf32, #tpu.memory_space<vmem>>) offsets(%arg11 : memref<128xi32, #tpu.memory_space<vmem>>) semaphore(%arg15 : memref<!tpu.dma_semaphore, #tpu.memory_space<semaphore_mem>>)
    %dma_wait3A_10 = arith.constant 0 : i32
    %dma_wait3A_11 = arith.constant 0 : i32
    %dma_wait3A_12 = tpu.memref_slice %arg5[%dma_wait3A_10, %dma_wait3A_11] : memref<100001x64xf32, #tpu.memory_space<hbm>> -> memref<100001x64xf32, #tpu.memory_space<hbm>>
    tpu.wait_indirect_dma semaphore(%arg15 : memref<!tpu.dma_semaphore, #tpu.memory_space<semaphore_mem>>) src(%dma_wait3A_12 : memref<100001x64xf32, #tpu.memory_space<hbm>>) dst(%arg13 : memref<128x64xf32, #tpu.memory_space<vmem>>)
    "tpu.region"() ({
      %run_scoped3A = tpu.sem_alloc : memref<!tpu.dma_semaphore, #tpu.memory_space<semaphore_mem>>
      %dma_start3A_58 = arith.constant 0 : i32
      %dma_start3A_59 = tpu.memref_slice %arg8[%mul3A_2, %dma_start3A_58] : memref<4096x64xf32, #tpu.memory_space<hbm>> -> memref<128x64xf32, #tpu.memory_space<hbm>>
      %dma_start3A_60 = arith.constant 0 : i32
      %dma_start3A_61 = tpu.memref_slice %arg8[%mul3A_2, %dma_start3A_60] : memref<4096x64xf32, #tpu.memory_space<hbm>> -> memref<128x64xf32, #tpu.memory_space<hbm>>
      tpu.enqueue_dma source(%arg13 : memref<128x64xf32, #tpu.memory_space<vmem>>) target(%dma_start3A_61 : memref<128x64xf32, #tpu.memory_space<hbm>>) target_semaphore(%run_scoped3A : memref<!tpu.dma_semaphore, #tpu.memory_space<semaphore_mem>>)
      %dma_wait3A_62 = arith.constant 0 : i32
      %dma_wait3A_63 = tpu.memref_slice %arg8[%mul3A_2, %dma_wait3A_62] : memref<4096x64xf32, #tpu.memory_space<hbm>> -> memref<128x64xf32, #tpu.memory_space<hbm>>
      %dma_wait3A_64 = arith.constant 0 : i32
      %dma_wait3A_65 = tpu.memref_slice %arg8[%mul3A_2, %dma_wait3A_64] : memref<4096x64xf32, #tpu.memory_space<hbm>> -> memref<128x64xf32, #tpu.memory_space<hbm>>
      tpu.wait_dma2 semaphore(%run_scoped3A : memref<!tpu.dma_semaphore, #tpu.memory_space<semaphore_mem>>) src(%arg13 : memref<128x64xf32, #tpu.memory_space<vmem>>) dst(%dma_wait3A_65 : memref<128x64xf32, #tpu.memory_space<hbm>>)
      tpu.yield
    }) : () -> ()
    "tpu.region"() ({
      %run_scoped3A = tpu.sem_alloc : memref<!tpu.dma_semaphore, #tpu.memory_space<semaphore_mem>>
      %dma_start3A_58 = tpu.memref_slice %arg3[%mul3A_2] : memref<4096xi32, #tpu.memory_space<hbm>> -> memref<128xi32, #tpu.memory_space<hbm>>
      %dma_start3A_59 = tpu.memref_slice %arg3[%mul3A_2] : memref<4096xi32, #tpu.memory_space<hbm>> -> memref<128xi32, #tpu.memory_space<hbm>>
      tpu.enqueue_dma source(%dma_start3A_59 : memref<128xi32, #tpu.memory_space<hbm>>) target(%arg11 : memref<128xi32, #tpu.memory_space<vmem>>) target_semaphore(%run_scoped3A : memref<!tpu.dma_semaphore, #tpu.memory_space<semaphore_mem>>)
      %dma_wait3A_60 = tpu.memref_slice %arg3[%mul3A_2] : memref<4096xi32, #tpu.memory_space<hbm>> -> memref<128xi32, #tpu.memory_space<hbm>>
      %dma_wait3A_61 = tpu.memref_slice %arg3[%mul3A_2] : memref<4096xi32, #tpu.memory_space<hbm>> -> memref<128xi32, #tpu.memory_space<hbm>>
      tpu.wait_dma2 semaphore(%run_scoped3A : memref<!tpu.dma_semaphore, #tpu.memory_space<semaphore_mem>>) src(%dma_wait3A_61 : memref<128xi32, #tpu.memory_space<hbm>>) dst(%arg11 : memref<128xi32, #tpu.memory_space<vmem>>)
      tpu.yield
    }) : () -> ()
    %dma_start3A_13 = arith.constant 0 : i32
    %dma_start3A_14 = arith.constant 0 : i32
    %dma_start3A_15 = tpu.memref_slice %arg6[%dma_start3A_13, %dma_start3A_14] : memref<100001x64xf32, #tpu.memory_space<hbm>> -> memref<100001x64xf32, #tpu.memory_space<hbm>>
    tpu.enqueue_indirect_dma source(%dma_start3A_15 : memref<100001x64xf32, #tpu.memory_space<hbm>>) target(%arg13 : memref<128x64xf32, #tpu.memory_space<vmem>>) offsets(%arg11 : memref<128xi32, #tpu.memory_space<vmem>>) semaphore(%arg15 : memref<!tpu.dma_semaphore, #tpu.memory_space<semaphore_mem>>)
    %dma_wait3A_16 = arith.constant 0 : i32
    %dma_wait3A_17 = arith.constant 0 : i32
    %dma_wait3A_18 = tpu.memref_slice %arg6[%dma_wait3A_16, %dma_wait3A_17] : memref<100001x64xf32, #tpu.memory_space<hbm>> -> memref<100001x64xf32, #tpu.memory_space<hbm>>
    tpu.wait_indirect_dma semaphore(%arg15 : memref<!tpu.dma_semaphore, #tpu.memory_space<semaphore_mem>>) src(%dma_wait3A_18 : memref<100001x64xf32, #tpu.memory_space<hbm>>) dst(%arg13 : memref<128x64xf32, #tpu.memory_space<vmem>>)
    "tpu.region"() ({
      %run_scoped3A = tpu.sem_alloc : memref<!tpu.dma_semaphore, #tpu.memory_space<semaphore_mem>>
      %dma_start3A_58 = arith.constant 0 : i32
      %dma_start3A_59 = tpu.memref_slice %arg9[%mul3A_2, %dma_start3A_58] : memref<4096x64xf32, #tpu.memory_space<hbm>> -> memref<128x64xf32, #tpu.memory_space<hbm>>
      %dma_start3A_60 = arith.constant 0 : i32
      %dma_start3A_61 = tpu.memref_slice %arg9[%mul3A_2, %dma_start3A_60] : memref<4096x64xf32, #tpu.memory_space<hbm>> -> memref<128x64xf32, #tpu.memory_space<hbm>>
      tpu.enqueue_dma source(%arg13 : memref<128x64xf32, #tpu.memory_space<vmem>>) target(%dma_start3A_61 : memref<128x64xf32, #tpu.memory_space<hbm>>) target_semaphore(%run_scoped3A : memref<!tpu.dma_semaphore, #tpu.memory_space<semaphore_mem>>)
      %dma_wait3A_62 = arith.constant 0 : i32
      %dma_wait3A_63 = tpu.memref_slice %arg9[%mul3A_2, %dma_wait3A_62] : memref<4096x64xf32, #tpu.memory_space<hbm>> -> memref<128x64xf32, #tpu.memory_space<hbm>>
      %dma_wait3A_64 = arith.constant 0 : i32
      %dma_wait3A_65 = tpu.memref_slice %arg9[%mul3A_2, %dma_wait3A_64] : memref<4096x64xf32, #tpu.memory_space<hbm>> -> memref<128x64xf32, #tpu.memory_space<hbm>>
      tpu.wait_dma2 semaphore(%run_scoped3A : memref<!tpu.dma_semaphore, #tpu.memory_space<semaphore_mem>>) src(%arg13 : memref<128x64xf32, #tpu.memory_space<vmem>>) dst(%dma_wait3A_65 : memref<128x64xf32, #tpu.memory_space<hbm>>)
      tpu.yield
    }) : () -> ()
    %scan3A = arith.constant 0 : i32
    %scan3A_19 = arith.constant 0 : i32
    %scan3A_20 = arith.constant 16 : i32
    %scan3A_21 = arith.addi %scan3A_19, %scan3A_20 : i32
    %scan3A_22 = arith.constant 1 : i32
    scf.for %scan3A_58 = %scan3A_19 to %scan3A_21 step %scan3A_22  : i32 {
      %rem3A = arith.constant 2 : i32
      %rem3A_59 = arith.remsi %scan3A_58, %rem3A : i32
      %mul3A_60 = arith.constant 8 : i32
      %mul3A_61 = arith.muli %scan3A_58, %mul3A_60 : i32
      %ge3A = arith.constant 2 : i32
      %ge3A_62 = arith.cmpi sge, %scan3A_58, %ge3A : i32
      %convert_element_type3A = arith.extui %ge3A_62 : i1 to i32
      %cond3A = arith.constant 0 : i32
      %cond3A_63 = arith.cmpi ne, %convert_element_type3A, %cond3A : i32
      scf.if %cond3A_63 {
        %dma_wait3A_273 = arith.constant 0 : i32
        %dma_wait3A_274 = arith.constant 0 : i32
        %dma_wait3A_275 = arith.constant 0 : i32
        %dma_wait3A_276 = tpu.memref_slice %arg14[%rem3A_59, %dma_wait3A_273, %dma_wait3A_274, %dma_wait3A_275] : memref<2x8x56x64xf32, #tpu.memory_space<vmem>> -> memref<1x8x56x64xf32, #tpu.memory_space<vmem>>
        %dma_wait3A_277 = tpu.memref_squeeze %dma_wait3A_276 : memref<1x8x56x64xf32, #tpu.memory_space<vmem>> -> memref<8x56x64xf32, #tpu.memory_space<vmem>>
        %dma_wait3A_278 = arith.constant 0 : i32
        %dma_wait3A_279 = arith.constant 0 : i32
        %dma_wait3A_280 = tpu.memref_slice %arg10[%mul3A_2, %dma_wait3A_278, %dma_wait3A_279] : memref<4096x56x64xf32, #tpu.memory_space<hbm>> -> memref<8x56x64xf32, #tpu.memory_space<hbm>>
        %dma_wait3A_281 = arith.constant 0 : i32
        %dma_wait3A_282 = arith.constant 0 : i32
        %dma_wait3A_283 = tpu.memref_slice %arg10[%mul3A_2, %dma_wait3A_281, %dma_wait3A_282] : memref<4096x56x64xf32, #tpu.memory_space<hbm>> -> memref<8x56x64xf32, #tpu.memory_space<hbm>>
        %dma_wait3A_284 = arith.constant 0 : i32
        %dma_wait3A_285 = arith.constant 0 : i32
        %dma_wait3A_286 = arith.constant 0 : i32
        %dma_wait3A_287 = tpu.memref_slice %arg14[%rem3A_59, %dma_wait3A_284, %dma_wait3A_285, %dma_wait3A_286] : memref<2x8x56x64xf32, #tpu.memory_space<vmem>> -> memref<1x8x56x64xf32, #tpu.memory_space<vmem>>
        %dma_wait3A_288 = tpu.memref_squeeze %dma_wait3A_287 : memref<1x8x56x64xf32, #tpu.memory_space<vmem>> -> memref<8x56x64xf32, #tpu.memory_space<vmem>>
        tpu.wait_dma2 semaphore(%arg16 : memref<!tpu.dma_semaphore, #tpu.memory_space<semaphore_mem>>) src(%dma_wait3A_288 : memref<8x56x64xf32, #tpu.memory_space<vmem>>) dst(%dma_wait3A_283 : memref<8x56x64xf32, #tpu.memory_space<hbm>>)
      } else {
      }
      %add3A_64 = arith.constant 0 : i32
      %add3A_65 = arith.addi %mul3A_61, %add3A_64 : i32
      %dma_start3A_66 = arith.constant 0 : i32
      %dma_start3A_67 = arith.constant 0 : i32
      %dma_start3A_68 = arith.constant 0 : i32
      %dma_start3A_69 = tpu.memref_slice %arg14[%rem3A_59, %dma_start3A_66, %dma_start3A_67, %dma_start3A_68] : memref<2x8x56x64xf32, #tpu.memory_space<vmem>> -> memref<1x1x56x64xf32, #tpu.memory_space<vmem>>
      %dma_start3A_70 = tpu.memref_squeeze %dma_start3A_69 : memref<1x1x56x64xf32, #tpu.memory_space<vmem>> -> memref<56x64xf32, #tpu.memory_space<vmem>>
      %dma_start3A_71 = arith.constant 0 : i32
      %dma_start3A_72 = tpu.memref_slice %arg12[%add3A_65, %dma_start3A_71] : memref<128x64xi32, #tpu.memory_space<vmem>> -> memref<1x56xi32, #tpu.memory_space<vmem>>
      %dma_start3A_73 = tpu.memref_squeeze %dma_start3A_72 : memref<1x56xi32, #tpu.memory_space<vmem>> -> memref<56xi32, #tpu.memory_space<vmem>>
      %dma_start3A_74 = arith.constant 0 : i32
      %dma_start3A_75 = arith.constant 0 : i32
      %dma_start3A_76 = tpu.memref_slice %arg6[%dma_start3A_74, %dma_start3A_75] : memref<100001x64xf32, #tpu.memory_space<hbm>> -> memref<100001x64xf32, #tpu.memory_space<hbm>>
      tpu.enqueue_indirect_dma source(%dma_start3A_76 : memref<100001x64xf32, #tpu.memory_space<hbm>>) target(%dma_start3A_70 : memref<56x64xf32, #tpu.memory_space<vmem>>) offsets(%dma_start3A_73 : memref<56xi32, #tpu.memory_space<vmem>>) semaphore(%arg15 : memref<!tpu.dma_semaphore, #tpu.memory_space<semaphore_mem>>)
      %add3A_77 = arith.constant 1 : i32
      %add3A_78 = arith.addi %mul3A_61, %add3A_77 : i32
      %dma_start3A_79 = arith.constant 1 : i32
      %dma_start3A_80 = arith.constant 0 : i32
      %dma_start3A_81 = arith.constant 0 : i32
      %dma_start3A_82 = tpu.memref_slice %arg14[%rem3A_59, %dma_start3A_79, %dma_start3A_80, %dma_start3A_81] : memref<2x8x56x64xf32, #tpu.memory_space<vmem>> -> memref<1x1x56x64xf32, #tpu.memory_space<vmem>>
      %dma_start3A_83 = tpu.memref_squeeze %dma_start3A_82 : memref<1x1x56x64xf32, #tpu.memory_space<vmem>> -> memref<56x64xf32, #tpu.memory_space<vmem>>
      %dma_start3A_84 = arith.constant 0 : i32
      %dma_start3A_85 = tpu.memref_slice %arg12[%add3A_78, %dma_start3A_84] : memref<128x64xi32, #tpu.memory_space<vmem>> -> memref<1x56xi32, #tpu.memory_space<vmem>>
      %dma_start3A_86 = tpu.memref_squeeze %dma_start3A_85 : memref<1x56xi32, #tpu.memory_space<vmem>> -> memref<56xi32, #tpu.memory_space<vmem>>
      %dma_start3A_87 = arith.constant 0 : i32
      %dma_start3A_88 = arith.constant 0 : i32
      %dma_start3A_89 = tpu.memref_slice %arg6[%dma_start3A_87, %dma_start3A_88] : memref<100001x64xf32, #tpu.memory_space<hbm>> -> memref<100001x64xf32, #tpu.memory_space<hbm>>
      tpu.enqueue_indirect_dma source(%dma_start3A_89 : memref<100001x64xf32, #tpu.memory_space<hbm>>) target(%dma_start3A_83 : memref<56x64xf32, #tpu.memory_space<vmem>>) offsets(%dma_start3A_86 : memref<56xi32, #tpu.memory_space<vmem>>) semaphore(%arg15 : memref<!tpu.dma_semaphore, #tpu.memory_space<semaphore_mem>>)
      %add3A_90 = arith.constant 2 : i32
      %add3A_91 = arith.addi %mul3A_61, %add3A_90 : i32
      %dma_start3A_92 = arith.constant 2 : i32
      %dma_start3A_93 = arith.constant 0 : i32
      %dma_start3A_94 = arith.constant 0 : i32
      %dma_start3A_95 = tpu.memref_slice %arg14[%rem3A_59, %dma_start3A_92, %dma_start3A_93, %dma_start3A_94] : memref<2x8x56x64xf32, #tpu.memory_space<vmem>> -> memref<1x1x56x64xf32, #tpu.memory_space<vmem>>
      %dma_start3A_96 = tpu.memref_squeeze %dma_start3A_95 : memref<1x1x56x64xf32, #tpu.memory_space<vmem>> -> memref<56x64xf32, #tpu.memory_space<vmem>>
      %dma_start3A_97 = arith.constant 0 : i32
      %dma_start3A_98 = tpu.memref_slice %arg12[%add3A_91, %dma_start3A_97] : memref<128x64xi32, #tpu.memory_space<vmem>> -> memref<1x56xi32, #tpu.memory_space<vmem>>
      %dma_start3A_99 = tpu.memref_squeeze %dma_start3A_98 : memref<1x56xi32, #tpu.memory_space<vmem>> -> memref<56xi32, #tpu.memory_space<vmem>>
      %dma_start3A_100 = arith.constant 0 : i32
      %dma_start3A_101 = arith.constant 0 : i32
      %dma_start3A_102 = tpu.memref_slice %arg6[%dma_start3A_100, %dma_start3A_101] : memref<100001x64xf32, #tpu.memory_space<hbm>> -> memref<100001x64xf32, #tpu.memory_space<hbm>>
      tpu.enqueue_indirect_dma source(%dma_start3A_102 : memref<100001x64xf32, #tpu.memory_space<hbm>>) target(%dma_start3A_96 : memref<56x64xf32, #tpu.memory_space<vmem>>) offsets(%dma_start3A_99 : memref<56xi32, #tpu.memory_space<vmem>>) semaphore(%arg15 : memref<!tpu.dma_semaphore, #tpu.memory_space<semaphore_mem>>)
      %add3A_103 = arith.constant 3 : i32
      %add3A_104 = arith.addi %mul3A_61, %add3A_103 : i32
      %dma_start3A_105 = arith.constant 3 : i32
      %dma_start3A_106 = arith.constant 0 : i32
      %dma_start3A_107 = arith.constant 0 : i32
      %dma_start3A_108 = tpu.memref_slice %arg14[%rem3A_59, %dma_start3A_105, %dma_start3A_106, %dma_start3A_107] : memref<2x8x56x64xf32, #tpu.memory_space<vmem>> -> memref<1x1x56x64xf32, #tpu.memory_space<vmem>>
      %dma_start3A_109 = tpu.memref_squeeze %dma_start3A_108 : memref<1x1x56x64xf32, #tpu.memory_space<vmem>> -> memref<56x64xf32, #tpu.memory_space<vmem>>
      %dma_start3A_110 = arith.constant 0 : i32
      %dma_start3A_111 = tpu.memref_slice %arg12[%add3A_104, %dma_start3A_110] : memref<128x64xi32, #tpu.memory_space<vmem>> -> memref<1x56xi32, #tpu.memory_space<vmem>>
      %dma_start3A_112 = tpu.memref_squeeze %dma_start3A_111 : memref<1x56xi32, #tpu.memory_space<vmem>> -> memref<56xi32, #tpu.memory_space<vmem>>
      %dma_start3A_113 = arith.constant 0 : i32
      %dma_start3A_114 = arith.constant 0 : i32
      %dma_start3A_115 = tpu.memref_slice %arg6[%dma_start3A_113, %dma_start3A_114] : memref<100001x64xf32, #tpu.memory_space<hbm>> -> memref<100001x64xf32, #tpu.memory_space<hbm>>
      tpu.enqueue_indirect_dma source(%dma_start3A_115 : memref<100001x64xf32, #tpu.memory_space<hbm>>) target(%dma_start3A_109 : memref<56x64xf32, #tpu.memory_space<vmem>>) offsets(%dma_start3A_112 : memref<56xi32, #tpu.memory_space<vmem>>) semaphore(%arg15 : memref<!tpu.dma_semaphore, #tpu.memory_space<semaphore_mem>>)
      %add3A_116 = arith.constant 4 : i32
      %add3A_117 = arith.addi %mul3A_61, %add3A_116 : i32
      %dma_start3A_118 = arith.constant 4 : i32
      %dma_start3A_119 = arith.constant 0 : i32
      %dma_start3A_120 = arith.constant 0 : i32
      %dma_start3A_121 = tpu.memref_slice %arg14[%rem3A_59, %dma_start3A_118, %dma_start3A_119, %dma_start3A_120] : memref<2x8x56x64xf32, #tpu.memory_space<vmem>> -> memref<1x1x56x64xf32, #tpu.memory_space<vmem>>
      %dma_start3A_122 = tpu.memref_squeeze %dma_start3A_121 : memref<1x1x56x64xf32, #tpu.memory_space<vmem>> -> memref<56x64xf32, #tpu.memory_space<vmem>>
      %dma_start3A_123 = arith.constant 0 : i32
      %dma_start3A_124 = tpu.memref_slice %arg12[%add3A_117, %dma_start3A_123] : memref<128x64xi32, #tpu.memory_space<vmem>> -> memref<1x56xi32, #tpu.memory_space<vmem>>
      %dma_start3A_125 = tpu.memref_squeeze %dma_start3A_124 : memref<1x56xi32, #tpu.memory_space<vmem>> -> memref<56xi32, #tpu.memory_space<vmem>>
      %dma_start3A_126 = arith.constant 0 : i32
      %dma_start3A_127 = arith.constant 0 : i32
      %dma_start3A_128 = tpu.memref_slice %arg6[%dma_start3A_126, %dma_start3A_127] : memref<100001x64xf32, #tpu.memory_space<hbm>> -> memref<100001x64xf32, #tpu.memory_space<hbm>>
      tpu.enqueue_indirect_dma source(%dma_start3A_128 : memref<100001x64xf32, #tpu.memory_space<hbm>>) target(%dma_start3A_122 : memref<56x64xf32, #tpu.memory_space<vmem>>) offsets(%dma_start3A_125 : memref<56xi32, #tpu.memory_space<vmem>>) semaphore(%arg15 : memref<!tpu.dma_semaphore, #tpu.memory_space<semaphore_mem>>)
      %add3A_129 = arith.constant 5 : i32
      %add3A_130 = arith.addi %mul3A_61, %add3A_129 : i32
      %dma_start3A_131 = arith.constant 5 : i32
      %dma_start3A_132 = arith.constant 0 : i32
      %dma_start3A_133 = arith.constant 0 : i32
      %dma_start3A_134 = tpu.memref_slice %arg14[%rem3A_59, %dma_start3A_131, %dma_start3A_132, %dma_start3A_133] : memref<2x8x56x64xf32, #tpu.memory_space<vmem>> -> memref<1x1x56x64xf32, #tpu.memory_space<vmem>>
      %dma_start3A_135 = tpu.memref_squeeze %dma_start3A_134 : memref<1x1x56x64xf32, #tpu.memory_space<vmem>> -> memref<56x64xf32, #tpu.memory_space<vmem>>
      %dma_start3A_136 = arith.constant 0 : i32
      %dma_start3A_137 = tpu.memref_slice %arg12[%add3A_130, %dma_start3A_136] : memref<128x64xi32, #tpu.memory_space<vmem>> -> memref<1x56xi32, #tpu.memory_space<vmem>>
      %dma_start3A_138 = tpu.memref_squeeze %dma_start3A_137 : memref<1x56xi32, #tpu.memory_space<vmem>> -> memref<56xi32, #tpu.memory_space<vmem>>
      %dma_start3A_139 = arith.constant 0 : i32
      %dma_start3A_140 = arith.constant 0 : i32
      %dma_start3A_141 = tpu.memref_slice %arg6[%dma_start3A_139, %dma_start3A_140] : memref<100001x64xf32, #tpu.memory_space<hbm>> -> memref<100001x64xf32, #tpu.memory_space<hbm>>
      tpu.enqueue_indirect_dma source(%dma_start3A_141 : memref<100001x64xf32, #tpu.memory_space<hbm>>) target(%dma_start3A_135 : memref<56x64xf32, #tpu.memory_space<vmem>>) offsets(%dma_start3A_138 : memref<56xi32, #tpu.memory_space<vmem>>) semaphore(%arg15 : memref<!tpu.dma_semaphore, #tpu.memory_space<semaphore_mem>>)
      %add3A_142 = arith.constant 6 : i32
      %add3A_143 = arith.addi %mul3A_61, %add3A_142 : i32
      %dma_start3A_144 = arith.constant 6 : i32
      %dma_start3A_145 = arith.constant 0 : i32
      %dma_start3A_146 = arith.constant 0 : i32
      %dma_start3A_147 = tpu.memref_slice %arg14[%rem3A_59, %dma_start3A_144, %dma_start3A_145, %dma_start3A_146] : memref<2x8x56x64xf32, #tpu.memory_space<vmem>> -> memref<1x1x56x64xf32, #tpu.memory_space<vmem>>
      %dma_start3A_148 = tpu.memref_squeeze %dma_start3A_147 : memref<1x1x56x64xf32, #tpu.memory_space<vmem>> -> memref<56x64xf32, #tpu.memory_space<vmem>>
      %dma_start3A_149 = arith.constant 0 : i32
      %dma_start3A_150 = tpu.memref_slice %arg12[%add3A_143, %dma_start3A_149] : memref<128x64xi32, #tpu.memory_space<vmem>> -> memref<1x56xi32, #tpu.memory_space<vmem>>
      %dma_start3A_151 = tpu.memref_squeeze %dma_start3A_150 : memref<1x56xi32, #tpu.memory_space<vmem>> -> memref<56xi32, #tpu.memory_space<vmem>>
      %dma_start3A_152 = arith.constant 0 : i32
      %dma_start3A_153 = arith.constant 0 : i32
      %dma_start3A_154 = tpu.memref_slice %arg6[%dma_start3A_152, %dma_start3A_153] : memref<100001x64xf32, #tpu.memory_space<hbm>> -> memref<100001x64xf32, #tpu.memory_space<hbm>>
      tpu.enqueue_indirect_dma source(%dma_start3A_154 : memref<100001x64xf32, #tpu.memory_space<hbm>>) target(%dma_start3A_148 : memref<56x64xf32, #tpu.memory_space<vmem>>) offsets(%dma_start3A_151 : memref<56xi32, #tpu.memory_space<vmem>>) semaphore(%arg15 : memref<!tpu.dma_semaphore, #tpu.memory_space<semaphore_mem>>)
      %add3A_155 = arith.constant 7 : i32
      %add3A_156 = arith.addi %mul3A_61, %add3A_155 : i32
      %dma_start3A_157 = arith.constant 7 : i32
      %dma_start3A_158 = arith.constant 0 : i32
      %dma_start3A_159 = arith.constant 0 : i32
      %dma_start3A_160 = tpu.memref_slice %arg14[%rem3A_59, %dma_start3A_157, %dma_start3A_158, %dma_start3A_159] : memref<2x8x56x64xf32, #tpu.memory_space<vmem>> -> memref<1x1x56x64xf32, #tpu.memory_space<vmem>>
      %dma_start3A_161 = tpu.memref_squeeze %dma_start3A_160 : memref<1x1x56x64xf32, #tpu.memory_space<vmem>> -> memref<56x64xf32, #tpu.memory_space<vmem>>
      %dma_start3A_162 = arith.constant 0 : i32
      %dma_start3A_163 = tpu.memref_slice %arg12[%add3A_156, %dma_start3A_162] : memref<128x64xi32, #tpu.memory_space<vmem>> -> memref<1x56xi32, #tpu.memory_space<vmem>>
      %dma_start3A_164 = tpu.memref_squeeze %dma_start3A_163 : memref<1x56xi32, #tpu.memory_space<vmem>> -> memref<56xi32, #tpu.memory_space<vmem>>
      %dma_start3A_165 = arith.constant 0 : i32
      %dma_start3A_166 = arith.constant 0 : i32
      %dma_start3A_167 = tpu.memref_slice %arg6[%dma_start3A_165, %dma_start3A_166] : memref<100001x64xf32, #tpu.memory_space<hbm>> -> memref<100001x64xf32, #tpu.memory_space<hbm>>
      tpu.enqueue_indirect_dma source(%dma_start3A_167 : memref<100001x64xf32, #tpu.memory_space<hbm>>) target(%dma_start3A_161 : memref<56x64xf32, #tpu.memory_space<vmem>>) offsets(%dma_start3A_164 : memref<56xi32, #tpu.memory_space<vmem>>) semaphore(%arg15 : memref<!tpu.dma_semaphore, #tpu.memory_space<semaphore_mem>>)
      %dma_wait3A_168 = arith.constant 0 : i32
      %dma_wait3A_169 = arith.constant 0 : i32
      %dma_wait3A_170 = arith.constant 0 : i32
      %dma_wait3A_171 = tpu.memref_slice %arg14[%rem3A_59, %dma_wait3A_168, %dma_wait3A_169, %dma_wait3A_170] : memref<2x8x56x64xf32, #tpu.memory_space<vmem>> -> memref<1x1x56x64xf32, #tpu.memory_space<vmem>>
      %dma_wait3A_172 = tpu.memref_squeeze %dma_wait3A_171 : memref<1x1x56x64xf32, #tpu.memory_space<vmem>> -> memref<56x64xf32, #tpu.memory_space<vmem>>
      %dma_wait3A_173 = arith.constant 0 : i32
      %dma_wait3A_174 = tpu.memref_slice %arg12[%add3A_65, %dma_wait3A_173] : memref<128x64xi32, #tpu.memory_space<vmem>> -> memref<1x56xi32, #tpu.memory_space<vmem>>
      %dma_wait3A_175 = tpu.memref_squeeze %dma_wait3A_174 : memref<1x56xi32, #tpu.memory_space<vmem>> -> memref<56xi32, #tpu.memory_space<vmem>>
      %dma_wait3A_176 = arith.constant 0 : i32
      %dma_wait3A_177 = arith.constant 0 : i32
      %dma_wait3A_178 = tpu.memref_slice %arg6[%dma_wait3A_176, %dma_wait3A_177] : memref<100001x64xf32, #tpu.memory_space<hbm>> -> memref<100001x64xf32, #tpu.memory_space<hbm>>
      tpu.wait_indirect_dma semaphore(%arg15 : memref<!tpu.dma_semaphore, #tpu.memory_space<semaphore_mem>>) src(%dma_wait3A_178 : memref<100001x64xf32, #tpu.memory_space<hbm>>) dst(%dma_wait3A_172 : memref<56x64xf32, #tpu.memory_space<vmem>>)
      %dma_wait3A_179 = arith.constant 1 : i32
      %dma_wait3A_180 = arith.constant 0 : i32
      %dma_wait3A_181 = arith.constant 0 : i32
      %dma_wait3A_182 = tpu.memref_slice %arg14[%rem3A_59, %dma_wait3A_179, %dma_wait3A_180, %dma_wait3A_181] : memref<2x8x56x64xf32, #tpu.memory_space<vmem>> -> memref<1x1x56x64xf32, #tpu.memory_space<vmem>>
      %dma_wait3A_183 = tpu.memref_squeeze %dma_wait3A_182 : memref<1x1x56x64xf32, #tpu.memory_space<vmem>> -> memref<56x64xf32, #tpu.memory_space<vmem>>
      %dma_wait3A_184 = arith.constant 0 : i32
      %dma_wait3A_185 = tpu.memref_slice %arg12[%add3A_78, %dma_wait3A_184] : memref<128x64xi32, #tpu.memory_space<vmem>> -> memref<1x56xi32, #tpu.memory_space<vmem>>
      %dma_wait3A_186 = tpu.memref_squeeze %dma_wait3A_185 : memref<1x56xi32, #tpu.memory_space<vmem>> -> memref<56xi32, #tpu.memory_space<vmem>>
      %dma_wait3A_187 = arith.constant 0 : i32
      %dma_wait3A_188 = arith.constant 0 : i32
      %dma_wait3A_189 = tpu.memref_slice %arg6[%dma_wait3A_187, %dma_wait3A_188] : memref<100001x64xf32, #tpu.memory_space<hbm>> -> memref<100001x64xf32, #tpu.memory_space<hbm>>
      tpu.wait_indirect_dma semaphore(%arg15 : memref<!tpu.dma_semaphore, #tpu.memory_space<semaphore_mem>>) src(%dma_wait3A_189 : memref<100001x64xf32, #tpu.memory_space<hbm>>) dst(%dma_wait3A_183 : memref<56x64xf32, #tpu.memory_space<vmem>>)
      %dma_wait3A_190 = arith.constant 2 : i32
      %dma_wait3A_191 = arith.constant 0 : i32
      %dma_wait3A_192 = arith.constant 0 : i32
      %dma_wait3A_193 = tpu.memref_slice %arg14[%rem3A_59, %dma_wait3A_190, %dma_wait3A_191, %dma_wait3A_192] : memref<2x8x56x64xf32, #tpu.memory_space<vmem>> -> memref<1x1x56x64xf32, #tpu.memory_space<vmem>>
      %dma_wait3A_194 = tpu.memref_squeeze %dma_wait3A_193 : memref<1x1x56x64xf32, #tpu.memory_space<vmem>> -> memref<56x64xf32, #tpu.memory_space<vmem>>
      %dma_wait3A_195 = arith.constant 0 : i32
      %dma_wait3A_196 = tpu.memref_slice %arg12[%add3A_91, %dma_wait3A_195] : memref<128x64xi32, #tpu.memory_space<vmem>> -> memref<1x56xi32, #tpu.memory_space<vmem>>
      %dma_wait3A_197 = tpu.memref_squeeze %dma_wait3A_196 : memref<1x56xi32, #tpu.memory_space<vmem>> -> memref<56xi32, #tpu.memory_space<vmem>>
      %dma_wait3A_198 = arith.constant 0 : i32
      %dma_wait3A_199 = arith.constant 0 : i32
      %dma_wait3A_200 = tpu.memref_slice %arg6[%dma_wait3A_198, %dma_wait3A_199] : memref<100001x64xf32, #tpu.memory_space<hbm>> -> memref<100001x64xf32, #tpu.memory_space<hbm>>
      tpu.wait_indirect_dma semaphore(%arg15 : memref<!tpu.dma_semaphore, #tpu.memory_space<semaphore_mem>>) src(%dma_wait3A_200 : memref<100001x64xf32, #tpu.memory_space<hbm>>) dst(%dma_wait3A_194 : memref<56x64xf32, #tpu.memory_space<vmem>>)
      %dma_wait3A_201 = arith.constant 3 : i32
      %dma_wait3A_202 = arith.constant 0 : i32
      %dma_wait3A_203 = arith.constant 0 : i32
      %dma_wait3A_204 = tpu.memref_slice %arg14[%rem3A_59, %dma_wait3A_201, %dma_wait3A_202, %dma_wait3A_203] : memref<2x8x56x64xf32, #tpu.memory_space<vmem>> -> memref<1x1x56x64xf32, #tpu.memory_space<vmem>>
      %dma_wait3A_205 = tpu.memref_squeeze %dma_wait3A_204 : memref<1x1x56x64xf32, #tpu.memory_space<vmem>> -> memref<56x64xf32, #tpu.memory_space<vmem>>
      %dma_wait3A_206 = arith.constant 0 : i32
      %dma_wait3A_207 = tpu.memref_slice %arg12[%add3A_104, %dma_wait3A_206] : memref<128x64xi32, #tpu.memory_space<vmem>> -> memref<1x56xi32, #tpu.memory_space<vmem>>
      %dma_wait3A_208 = tpu.memref_squeeze %dma_wait3A_207 : memref<1x56xi32, #tpu.memory_space<vmem>> -> memref<56xi32, #tpu.memory_space<vmem>>
      %dma_wait3A_209 = arith.constant 0 : i32
      %dma_wait3A_210 = arith.constant 0 : i32
      %dma_wait3A_211 = tpu.memref_slice %arg6[%dma_wait3A_209, %dma_wait3A_210] : memref<100001x64xf32, #tpu.memory_space<hbm>> -> memref<100001x64xf32, #tpu.memory_space<hbm>>
      tpu.wait_indirect_dma semaphore(%arg15 : memref<!tpu.dma_semaphore, #tpu.memory_space<semaphore_mem>>) src(%dma_wait3A_211 : memref<100001x64xf32, #tpu.memory_space<hbm>>) dst(%dma_wait3A_205 : memref<56x64xf32, #tpu.memory_space<vmem>>)
      %dma_wait3A_212 = arith.constant 4 : i32
      %dma_wait3A_213 = arith.constant 0 : i32
      %dma_wait3A_214 = arith.constant 0 : i32
      %dma_wait3A_215 = tpu.memref_slice %arg14[%rem3A_59, %dma_wait3A_212, %dma_wait3A_213, %dma_wait3A_214] : memref<2x8x56x64xf32, #tpu.memory_space<vmem>> -> memref<1x1x56x64xf32, #tpu.memory_space<vmem>>
      %dma_wait3A_216 = tpu.memref_squeeze %dma_wait3A_215 : memref<1x1x56x64xf32, #tpu.memory_space<vmem>> -> memref<56x64xf32, #tpu.memory_space<vmem>>
      %dma_wait3A_217 = arith.constant 0 : i32
      %dma_wait3A_218 = tpu.memref_slice %arg12[%add3A_117, %dma_wait3A_217] : memref<128x64xi32, #tpu.memory_space<vmem>> -> memref<1x56xi32, #tpu.memory_space<vmem>>
      %dma_wait3A_219 = tpu.memref_squeeze %dma_wait3A_218 : memref<1x56xi32, #tpu.memory_space<vmem>> -> memref<56xi32, #tpu.memory_space<vmem>>
      %dma_wait3A_220 = arith.constant 0 : i32
      %dma_wait3A_221 = arith.constant 0 : i32
      %dma_wait3A_222 = tpu.memref_slice %arg6[%dma_wait3A_220, %dma_wait3A_221] : memref<100001x64xf32, #tpu.memory_space<hbm>> -> memref<100001x64xf32, #tpu.memory_space<hbm>>
      tpu.wait_indirect_dma semaphore(%arg15 : memref<!tpu.dma_semaphore, #tpu.memory_space<semaphore_mem>>) src(%dma_wait3A_222 : memref<100001x64xf32, #tpu.memory_space<hbm>>) dst(%dma_wait3A_216 : memref<56x64xf32, #tpu.memory_space<vmem>>)
      %dma_wait3A_223 = arith.constant 5 : i32
      %dma_wait3A_224 = arith.constant 0 : i32
      %dma_wait3A_225 = arith.constant 0 : i32
      %dma_wait3A_226 = tpu.memref_slice %arg14[%rem3A_59, %dma_wait3A_223, %dma_wait3A_224, %dma_wait3A_225] : memref<2x8x56x64xf32, #tpu.memory_space<vmem>> -> memref<1x1x56x64xf32, #tpu.memory_space<vmem>>
      %dma_wait3A_227 = tpu.memref_squeeze %dma_wait3A_226 : memref<1x1x56x64xf32, #tpu.memory_space<vmem>> -> memref<56x64xf32, #tpu.memory_space<vmem>>
      %dma_wait3A_228 = arith.constant 0 : i32
      %dma_wait3A_229 = tpu.memref_slice %arg12[%add3A_130, %dma_wait3A_228] : memref<128x64xi32, #tpu.memory_space<vmem>> -> memref<1x56xi32, #tpu.memory_space<vmem>>
      %dma_wait3A_230 = tpu.memref_squeeze %dma_wait3A_229 : memref<1x56xi32, #tpu.memory_space<vmem>> -> memref<56xi32, #tpu.memory_space<vmem>>
      %dma_wait3A_231 = arith.constant 0 : i32
      %dma_wait3A_232 = arith.constant 0 : i32
      %dma_wait3A_233 = tpu.memref_slice %arg6[%dma_wait3A_231, %dma_wait3A_232] : memref<100001x64xf32, #tpu.memory_space<hbm>> -> memref<100001x64xf32, #tpu.memory_space<hbm>>
      tpu.wait_indirect_dma semaphore(%arg15 : memref<!tpu.dma_semaphore, #tpu.memory_space<semaphore_mem>>) src(%dma_wait3A_233 : memref<100001x64xf32, #tpu.memory_space<hbm>>) dst(%dma_wait3A_227 : memref<56x64xf32, #tpu.memory_space<vmem>>)
      %dma_wait3A_234 = arith.constant 6 : i32
      %dma_wait3A_235 = arith.constant 0 : i32
      %dma_wait3A_236 = arith.constant 0 : i32
      %dma_wait3A_237 = tpu.memref_slice %arg14[%rem3A_59, %dma_wait3A_234, %dma_wait3A_235, %dma_wait3A_236] : memref<2x8x56x64xf32, #tpu.memory_space<vmem>> -> memref<1x1x56x64xf32, #tpu.memory_space<vmem>>
      %dma_wait3A_238 = tpu.memref_squeeze %dma_wait3A_237 : memref<1x1x56x64xf32, #tpu.memory_space<vmem>> -> memref<56x64xf32, #tpu.memory_space<vmem>>
      %dma_wait3A_239 = arith.constant 0 : i32
      %dma_wait3A_240 = tpu.memref_slice %arg12[%add3A_143, %dma_wait3A_239] : memref<128x64xi32, #tpu.memory_space<vmem>> -> memref<1x56xi32, #tpu.memory_space<vmem>>
      %dma_wait3A_241 = tpu.memref_squeeze %dma_wait3A_240 : memref<1x56xi32, #tpu.memory_space<vmem>> -> memref<56xi32, #tpu.memory_space<vmem>>
      %dma_wait3A_242 = arith.constant 0 : i32
      %dma_wait3A_243 = arith.constant 0 : i32
      %dma_wait3A_244 = tpu.memref_slice %arg6[%dma_wait3A_242, %dma_wait3A_243] : memref<100001x64xf32, #tpu.memory_space<hbm>> -> memref<100001x64xf32, #tpu.memory_space<hbm>>
      tpu.wait_indirect_dma semaphore(%arg15 : memref<!tpu.dma_semaphore, #tpu.memory_space<semaphore_mem>>) src(%dma_wait3A_244 : memref<100001x64xf32, #tpu.memory_space<hbm>>) dst(%dma_wait3A_238 : memref<56x64xf32, #tpu.memory_space<vmem>>)
      %dma_wait3A_245 = arith.constant 7 : i32
      %dma_wait3A_246 = arith.constant 0 : i32
      %dma_wait3A_247 = arith.constant 0 : i32
      %dma_wait3A_248 = tpu.memref_slice %arg14[%rem3A_59, %dma_wait3A_245, %dma_wait3A_246, %dma_wait3A_247] : memref<2x8x56x64xf32, #tpu.memory_space<vmem>> -> memref<1x1x56x64xf32, #tpu.memory_space<vmem>>
      %dma_wait3A_249 = tpu.memref_squeeze %dma_wait3A_248 : memref<1x1x56x64xf32, #tpu.memory_space<vmem>> -> memref<56x64xf32, #tpu.memory_space<vmem>>
      %dma_wait3A_250 = arith.constant 0 : i32
      %dma_wait3A_251 = tpu.memref_slice %arg12[%add3A_156, %dma_wait3A_250] : memref<128x64xi32, #tpu.memory_space<vmem>> -> memref<1x56xi32, #tpu.memory_space<vmem>>
      %dma_wait3A_252 = tpu.memref_squeeze %dma_wait3A_251 : memref<1x56xi32, #tpu.memory_space<vmem>> -> memref<56xi32, #tpu.memory_space<vmem>>
      %dma_wait3A_253 = arith.constant 0 : i32
      %dma_wait3A_254 = arith.constant 0 : i32
      %dma_wait3A_255 = tpu.memref_slice %arg6[%dma_wait3A_253, %dma_wait3A_254] : memref<100001x64xf32, #tpu.memory_space<hbm>> -> memref<100001x64xf32, #tpu.memory_space<hbm>>
      tpu.wait_indirect_dma semaphore(%arg15 : memref<!tpu.dma_semaphore, #tpu.memory_space<semaphore_mem>>) src(%dma_wait3A_255 : memref<100001x64xf32, #tpu.memory_space<hbm>>) dst(%dma_wait3A_249 : memref<56x64xf32, #tpu.memory_space<vmem>>)
      %add3A_256 = arith.addi %mul3A_2, %mul3A_61 : i32
      %dma_start3A_257 = arith.constant 0 : i32
      %dma_start3A_258 = arith.constant 0 : i32
      %dma_start3A_259 = arith.constant 0 : i32
      %dma_start3A_260 = tpu.memref_slice %arg14[%rem3A_59, %dma_start3A_257, %dma_start3A_258, %dma_start3A_259] : memref<2x8x56x64xf32, #tpu.memory_space<vmem>> -> memref<1x8x56x64xf32, #tpu.memory_space<vmem>>
      %dma_start3A_261 = tpu.memref_squeeze %dma_start3A_260 : memref<1x8x56x64xf32, #tpu.memory_space<vmem>> -> memref<8x56x64xf32, #tpu.memory_space<vmem>>
      %dma_start3A_262 = arith.constant 0 : i32
      %dma_start3A_263 = arith.constant 0 : i32
      %dma_start3A_264 = tpu.memref_slice %arg10[%add3A_256, %dma_start3A_262, %dma_start3A_263] : memref<4096x56x64xf32, #tpu.memory_space<hbm>> -> memref<8x56x64xf32, #tpu.memory_space<hbm>>
      %dma_start3A_265 = arith.constant 0 : i32
      %dma_start3A_266 = arith.constant 0 : i32
      %dma_start3A_267 = tpu.memref_slice %arg10[%add3A_256, %dma_start3A_265, %dma_start3A_266] : memref<4096x56x64xf32, #tpu.memory_space<hbm>> -> memref<8x56x64xf32, #tpu.memory_space<hbm>>
      %dma_start3A_268 = arith.constant 0 : i32
      %dma_start3A_269 = arith.constant 0 : i32
      %dma_start3A_270 = arith.constant 0 : i32
      %dma_start3A_271 = tpu.memref_slice %arg14[%rem3A_59, %dma_start3A_268, %dma_start3A_269, %dma_start3A_270] : memref<2x8x56x64xf32, #tpu.memory_space<vmem>> -> memref<1x8x56x64xf32, #tpu.memory_space<vmem>>
      %dma_start3A_272 = tpu.memref_squeeze %dma_start3A_271 : memref<1x8x56x64xf32, #tpu.memory_space<vmem>> -> memref<8x56x64xf32, #tpu.memory_space<vmem>>
      tpu.enqueue_dma source(%dma_start3A_272 : memref<8x56x64xf32, #tpu.memory_space<vmem>>) target(%dma_start3A_267 : memref<8x56x64xf32, #tpu.memory_space<hbm>>) target_semaphore(%arg16 : memref<!tpu.dma_semaphore, #tpu.memory_space<semaphore_mem>>)
    }
    %scan3A_23 = arith.constant 16 : i32
    %dma_wait3A_24 = arith.constant 0 : i32
    %dma_wait3A_25 = arith.constant 0 : i32
    %dma_wait3A_26 = arith.constant 0 : i32
    %dma_wait3A_27 = arith.constant 0 : i32
    %dma_wait3A_28 = tpu.memref_slice %arg14[%dma_wait3A_24, %dma_wait3A_25, %dma_wait3A_26, %dma_wait3A_27] : memref<2x8x56x64xf32, #tpu.memory_space<vmem>> -> memref<1x8x56x64xf32, #tpu.memory_space<vmem>>
    %dma_wait3A_29 = tpu.memref_squeeze %dma_wait3A_28 : memref<1x8x56x64xf32, #tpu.memory_space<vmem>> -> memref<8x56x64xf32, #tpu.memory_space<vmem>>
    %dma_wait3A_30 = arith.constant 0 : i32
    %dma_wait3A_31 = arith.constant 0 : i32
    %dma_wait3A_32 = tpu.memref_slice %arg10[%mul3A_2, %dma_wait3A_30, %dma_wait3A_31] : memref<4096x56x64xf32, #tpu.memory_space<hbm>> -> memref<8x56x64xf32, #tpu.memory_space<hbm>>
    %dma_wait3A_33 = arith.constant 0 : i32
    %dma_wait3A_34 = arith.constant 0 : i32
    %dma_wait3A_35 = tpu.memref_slice %arg10[%mul3A_2, %dma_wait3A_33, %dma_wait3A_34] : memref<4096x56x64xf32, #tpu.memory_space<hbm>> -> memref<8x56x64xf32, #tpu.memory_space<hbm>>
    %dma_wait3A_36 = arith.constant 0 : i32
    %dma_wait3A_37 = arith.constant 0 : i32
    %dma_wait3A_38 = arith.constant 0 : i32
    %dma_wait3A_39 = tpu.memref_slice %arg14[%dma_wait3A_24, %dma_wait3A_36, %dma_wait3A_37, %dma_wait3A_38] : memref<2x8x56x64xf32, #tpu.memory_space<vmem>> -> memref<1x8x56x64xf32, #tpu.memory_space<vmem>>
    %dma_wait3A_40 = tpu.memref_squeeze %dma_wait3A_39 : memref<1x8x56x64xf32, #tpu.memory_space<vmem>> -> memref<8x56x64xf32, #tpu.memory_space<vmem>>
    tpu.wait_dma2 semaphore(%arg16 : memref<!tpu.dma_semaphore, #tpu.memory_space<semaphore_mem>>) src(%dma_wait3A_40 : memref<8x56x64xf32, #tpu.memory_space<vmem>>) dst(%dma_wait3A_35 : memref<8x56x64xf32, #tpu.memory_space<hbm>>)
    %dma_wait3A_41 = arith.constant 1 : i32
    %dma_wait3A_42 = arith.constant 0 : i32
    %dma_wait3A_43 = arith.constant 0 : i32
    %dma_wait3A_44 = arith.constant 0 : i32
    %dma_wait3A_45 = tpu.memref_slice %arg14[%dma_wait3A_41, %dma_wait3A_42, %dma_wait3A_43, %dma_wait3A_44] : memref<2x8x56x64xf32, #tpu.memory_space<vmem>> -> memref<1x8x56x64xf32, #tpu.memory_space<vmem>>
    %dma_wait3A_46 = tpu.memref_squeeze %dma_wait3A_45 : memref<1x8x56x64xf32, #tpu.memory_space<vmem>> -> memref<8x56x64xf32, #tpu.memory_space<vmem>>
    %dma_wait3A_47 = arith.constant 0 : i32
    %dma_wait3A_48 = arith.constant 0 : i32
    %dma_wait3A_49 = tpu.memref_slice %arg10[%mul3A_2, %dma_wait3A_47, %dma_wait3A_48] : memref<4096x56x64xf32, #tpu.memory_space<hbm>> -> memref<8x56x64xf32, #tpu.memory_space<hbm>>
    %dma_wait3A_50 = arith.constant 0 : i32
    %dma_wait3A_51 = arith.constant 0 : i32
    %dma_wait3A_52 = tpu.memref_slice %arg10[%mul3A_2, %dma_wait3A_50, %dma_wait3A_51] : memref<4096x56x64xf32, #tpu.memory_space<hbm>> -> memref<8x56x64xf32, #tpu.memory_space<hbm>>
    %dma_wait3A_53 = arith.constant 0 : i32
    %dma_wait3A_54 = arith.constant 0 : i32
    %dma_wait3A_55 = arith.constant 0 : i32
    %dma_wait3A_56 = tpu.memref_slice %arg14[%dma_wait3A_41, %dma_wait3A_53, %dma_wait3A_54, %dma_wait3A_55] : memref<2x8x56x64xf32, #tpu.memory_space<vmem>> -> memref<1x8x56x64xf32, #tpu.memory_space<vmem>>
    %dma_wait3A_57 = tpu.memref_squeeze %dma_wait3A_56 : memref<1x8x56x64xf32, #tpu.memory_space<vmem>> -> memref<8x56x64xf32, #tpu.memory_space<vmem>>
    tpu.wait_dma2 semaphore(%arg16 : memref<!tpu.dma_semaphore, #tpu.memory_space<semaphore_mem>>) src(%dma_wait3A_57 : memref<8x56x64xf32, #tpu.memory_space<vmem>>) dst(%dma_wait3A_52 : memref<8x56x64xf32, #tpu.memory_space<hbm>>)
    return
  }
}

module attributes {stable_mosaic.version = 14 : i64} {
  func.func @_tc_attend_body(%arg0: i32, %arg1: memref<128x56xi32, #tpu.memory_space<vmem>>, %arg2: memref<128x1xi32, #tpu.memory_space<vmem>>, %arg3: memref<128x64xf32, #tpu.memory_space<vmem>>, %arg4: memref<128x64xf32, #tpu.memory_space<vmem>>, %arg5: memref<128x56x64xf32, #tpu.memory_space<vmem>>, %arg6: memref<128x56xf32, #tpu.memory_space<vmem>>, %arg7: memref<128x56xf32, #tpu.memory_space<vmem>>, %arg8: memref<128x64xf32, #tpu.memory_space<vmem>>, %arg9: memref<1x64xf32, #tpu.memory_space<vmem>>, %arg10: memref<1x64xf32, #tpu.memory_space<vmem>>, %arg11: memref<1x1xf32, #tpu.memory_space<vmem>>, %arg12: memref<1x64xf32, #tpu.memory_space<vmem>>, %arg13: memref<1x64xf32, #tpu.memory_space<vmem>>, %arg14: memref<1x64xf32, #tpu.memory_space<vmem>>, %arg15: memref<1x64xf32, #tpu.memory_space<vmem>>, %arg16: memref<1x64xf32, #tpu.memory_space<vmem>>, %arg17: memref<1x1xf32, #tpu.memory_space<vmem>>, %arg18: memref<128x1xf32, #tpu.memory_space<vmem>>, %arg19: memref<1x1xf32, #tpu.memory_space<vmem>>, %arg20: memref<1x1xf32, #tpu.memory_space<vmem>>) attributes {dimension_semantics = [#tpu.dimension_semantics<arbitrary>], iteration_bounds = array<i64: 32>, scalar_prefetch = 0 : i64, scratch_operands = 0 : i64, tpu.core_type = #tpu.core_type<tc>, window_params = [{transform_indices = @transform_0, window_bounds = array<i64: 128, 56>}, {transform_indices = @transform_1, window_bounds = array<i64: 128, 1>}, {transform_indices = @transform_2, window_bounds = array<i64: 128, 64>}, {transform_indices = @transform_3, window_bounds = array<i64: 128, 64>}, {transform_indices = @transform_4, window_bounds = array<i64: 128, 56, 64>}, {transform_indices = @transform_5, window_bounds = array<i64: 128, 56>}, {transform_indices = @transform_6, window_bounds = array<i64: 128, 56>}, {pipeline_mode = #tpu.pipeline_mode<synchronous>, transform_indices = @transform_7, window_bounds = array<i64: 128, 64>}, {pipeline_mode = #tpu.pipeline_mode<synchronous>, transform_indices = @transform_8, window_bounds = array<i64: 1, 64>}, {pipeline_mode = #tpu.pipeline_mode<synchronous>, transform_indices = @transform_9, window_bounds = array<i64: 1, 64>}, {pipeline_mode = #tpu.pipeline_mode<synchronous>, transform_indices = @transform_10, window_bounds = array<i64: 1, 1>}, {pipeline_mode = #tpu.pipeline_mode<synchronous>, transform_indices = @transform_11, window_bounds = array<i64: 1, 64>}, {pipeline_mode = #tpu.pipeline_mode<synchronous>, transform_indices = @transform_12, window_bounds = array<i64: 1, 64>}, {pipeline_mode = #tpu.pipeline_mode<synchronous>, transform_indices = @transform_13, window_bounds = array<i64: 1, 64>}, {pipeline_mode = #tpu.pipeline_mode<synchronous>, transform_indices = @transform_14, window_bounds = array<i64: 1, 64>}, {pipeline_mode = #tpu.pipeline_mode<synchronous>, transform_indices = @transform_15, window_bounds = array<i64: 1, 64>}, {pipeline_mode = #tpu.pipeline_mode<synchronous>, transform_indices = @transform_16, window_bounds = array<i64: 1, 1>}, {transform_indices = @transform_17, window_bounds = array<i64: 128, 1>}, {pipeline_mode = #tpu.pipeline_mode<synchronous>, transform_indices = @transform_18, window_bounds = array<i64: 1, 1>}, {pipeline_mode = #tpu.pipeline_mode<synchronous>, transform_indices = @transform_19, window_bounds = array<i64: 1, 1>}]} {
    %get3A = arith.constant 0 : index
    %get3A_0 = arith.constant 0 : index
    %get3A_1 = vector.load %arg1[%get3A, %get3A_0] : memref<128x56xi32, #tpu.memory_space<vmem>>, vector<128x56xi32>
    %get3A_2 = arith.constant 0 : index
    %get3A_3 = arith.constant 0 : index
    %get3A_4 = vector.load %arg2[%get3A_2, %get3A_3] : memref<128x1xi32, #tpu.memory_space<vmem>>, vector<128x1xi32>
    %iota3A = tpu.iota {dimensions = array<i32: 1>} : vector<128x56xi32>
    %lt3A = arith.constant 50 : i32
    %lt3A_5 = vector.broadcast %lt3A : i32 to vector<128x56xi32>
    %lt3A_6 = arith.cmpi slt, %iota3A, %lt3A_5 : vector<128x56xi32>
    %eq3A = vector.broadcast %get3A_4 : vector<128x1xi32> to vector<128x56xi32>
    %eq3A_7 = arith.cmpi eq, %get3A_1, %eq3A : vector<128x56xi32>
    %eq3A_8 = arith.constant 100000 : i32
    %eq3A_9 = vector.broadcast %eq3A_8 : i32 to vector<128x56xi32>
    %eq3A_10 = arith.cmpi eq, %get3A_1, %eq3A_9 : vector<128x56xi32>
    %or3A = arith.ori %eq3A_7, %eq3A_10 : vector<128x56xi1>
    %not3A = arith.constant dense<true> : vector<128x56xi1>
    %not3A_11 = arith.xori %or3A, %not3A : vector<128x56xi1>
    %and3A = arith.andi %not3A_11, %lt3A_6 : vector<128x56xi1>
    %convert_element_type3A = arith.extui %and3A : vector<128x56xi1> to vector<128x56xi32>
    %convert_element_type3A_12 = arith.sitofp %convert_element_type3A : vector<128x56xi32> to vector<128x56xf32>
    %get3A_13 = arith.constant 0 : index
    %get3A_14 = arith.constant 0 : index
    %get3A_15 = vector.load %arg3[%get3A_13, %get3A_14] : memref<128x64xf32, #tpu.memory_space<vmem>>, vector<128x64xf32>
    %get3A_16 = arith.constant 0 : index
    %get3A_17 = arith.constant 0 : index
    %get3A_18 = arith.constant 0 : index
    %get3A_19 = vector.load %arg5[%get3A_16, %get3A_17, %get3A_18] : memref<128x56x64xf32, #tpu.memory_space<vmem>>, vector<128x56x64xf32>
    %get3A_20 = arith.constant 0 : index
    %get3A_21 = arith.constant 0 : index
    %get3A_22 = vector.load %arg8[%get3A_20, %get3A_21] : memref<128x64xf32, #tpu.memory_space<vmem>>, vector<128x64xf32>
    %slice3A = vector.extract_strided_slice %get3A_22 {offsets = [0, 0], sizes = [64, 64], strides = [1, 1]} : vector<128x64xf32> to vector<64x64xf32>
    %dot_general3A = arith.constant dense<0.000000e+00> : vector<128x64xf32>
    %dot_general3A_23 = tpu.matmul %get3A_15, %slice3A, %dot_general3A {dimension_numbers = #tpu.dot_dimension_numbers<[1], [0], [0], [1], [0, 0, 1, 1], [], []>, transpose_lhs_hint = false} : vector<128x64xf32>, vector<64x64xf32>, vector<128x64xf32> -> vector<128x64xf32>
    %reshape3A = vector.shape_cast %get3A_19 : vector<128x56x64xf32> to vector<7168x64xf32>
    %slice3A_24 = vector.extract_strided_slice %get3A_22 {offsets = [64, 0], sizes = [64, 64], strides = [1, 1]} : vector<128x64xf32> to vector<64x64xf32>
    %dot_general3A_25 = arith.constant dense<0.000000e+00> : vector<7168x64xf32>
    %dot_general3A_26 = tpu.matmul %reshape3A, %slice3A_24, %dot_general3A_25 {dimension_numbers = #tpu.dot_dimension_numbers<[1], [0], [0], [1], [0, 0, 1, 1], [], []>, transpose_lhs_hint = false} : vector<7168x64xf32>, vector<64x64xf32>, vector<7168x64xf32> -> vector<7168x64xf32>
    %reshape3A_27 = vector.shape_cast %dot_general3A_26 : vector<7168x64xf32> to vector<128x56x64xf32>
    %broadcast_in_dim3A = vector.shape_cast %dot_general3A_23 : vector<128x64xf32> to vector<128x1x64xf32>
    %add3A = vector.broadcast %broadcast_in_dim3A : vector<128x1x64xf32> to vector<128x56x64xf32>
    %add3A_28 = arith.addf %reshape3A_27, %add3A : vector<128x56x64xf32>
    %get3A_29 = arith.constant 0 : index
    %get3A_30 = arith.constant 0 : index
    %get3A_31 = vector.load %arg9[%get3A_29, %get3A_30] : memref<1x64xf32, #tpu.memory_space<vmem>>, vector<1x64xf32>
    %broadcast_in_dim3A_32 = vector.shape_cast %get3A_31 : vector<1x64xf32> to vector<1x1x64xf32>
    %add3A_33 = vector.broadcast %broadcast_in_dim3A_32 : vector<1x1x64xf32> to vector<128x56x64xf32>
    %add3A_34 = arith.addf %add3A_28, %add3A_33 : vector<128x56x64xf32>
    %tanh3A = math.tanh %add3A_34 : vector<128x56x64xf32>
    %get3A_35 = arith.constant 0 : index
    %get3A_36 = arith.constant 0 : index
    %get3A_37 = vector.load %arg10[%get3A_35, %get3A_36] : memref<1x64xf32, #tpu.memory_space<vmem>>, vector<1x64xf32>
    %broadcast_in_dim3A_38 = vector.shape_cast %get3A_37 : vector<1x64xf32> to vector<1x1x64xf32>
    %mul3A = vector.broadcast %broadcast_in_dim3A_38 : vector<1x1x64xf32> to vector<128x56x64xf32>
    %mul3A_39 = arith.mulf %tanh3A, %mul3A : vector<128x56x64xf32>
    %reduce_sum3A = arith.constant dense<0.000000e+00> : vector<128x56xf32>
    %reduce_sum3A_40 = vector.multi_reduction <add>, %mul3A_39, %reduce_sum3A [2] : vector<128x56x64xf32> to vector<128x56xf32>
    %get3A_41 = arith.constant 0 : index
    %get3A_42 = arith.constant 0 : index
    %get3A_43 = vector.load %arg11[%get3A_41, %get3A_42] : memref<1x1xf32, #tpu.memory_space<vmem>>, vector<1x1xf32>
    %add3A_44 = vector.broadcast %get3A_43 : vector<1x1xf32> to vector<128x56xf32>
    %add3A_45 = arith.addf %reduce_sum3A_40, %add3A_44 : vector<128x56xf32>
    %div3A = arith.constant 4.000000e+00 : f32
    %div3A_46 = vector.broadcast %div3A : f32 to vector<128x56xf32>
    %div3A_47 = arith.divf %add3A_45, %div3A_46 : vector<128x56xf32>
    %jit3A = arith.constant -1.000000e+09 : f32
    %broadcast_in_dim3A_48 = vector.broadcast %jit3A : f32 to vector<128x56xf32>
    %select_n3A = arith.select %and3A, %div3A_47, %broadcast_in_dim3A_48 : vector<128x56xi1>, vector<128x56xf32>
    %reduce_max3A = arith.constant dense<0xFF800000> : vector<128xf32>
    %reduce_max3A_49 = vector.multi_reduction <maximumf>, %select_n3A, %reduce_max3A [1] : vector<128x56xf32> to vector<128xf32>
    %broadcast_in_dim3A_50 = vector.shape_cast %reduce_max3A_49 : vector<128xf32> to vector<128x1xf32>
    %sub3A = vector.broadcast %broadcast_in_dim3A_50 : vector<128x1xf32> to vector<128x56xf32>
    %sub3A_51 = arith.subf %select_n3A, %sub3A : vector<128x56xf32>
    %exp3A = math.exp %sub3A_51 : vector<128x56xf32>
    %reduce_sum3A_52 = arith.constant dense<0.000000e+00> : vector<128xf32>
    %reduce_sum3A_53 = vector.multi_reduction <add>, %exp3A, %reduce_sum3A_52 [1] : vector<128x56xf32> to vector<128xf32>
    %broadcast_in_dim3A_54 = vector.shape_cast %reduce_sum3A_53 : vector<128xf32> to vector<128x1xf32>
    %div3A_55 = vector.broadcast %broadcast_in_dim3A_54 : vector<128x1xf32> to vector<128x56xf32>
    %div3A_56 = arith.divf %exp3A, %div3A_55 : vector<128x56xf32>
    %mul3A_57 = arith.mulf %div3A_56, %convert_element_type3A_12 : vector<128x56xf32>
    %add3A_58 = arith.constant 1.000000e-10 : f32
    %add3A_59 = vector.broadcast %add3A_58 : f32 to vector<128x56xf32>
    %add3A_60 = arith.addf %mul3A_57, %add3A_59 : vector<128x56xf32>
    %log3A = math.log %add3A_60 : vector<128x56xf32>
    %get3A_61 = arith.constant 0 : index
    %get3A_62 = arith.constant 0 : index
    %get3A_63 = vector.load %arg6[%get3A_61, %get3A_62] : memref<128x56xf32, #tpu.memory_space<vmem>>, vector<128x56xf32>
    %mul3A_64 = arith.constant 1.000000e-01 : f32
    %mul3A_65 = vector.broadcast %mul3A_64 : f32 to vector<128x56xf32>
    %mul3A_66 = arith.mulf %mul3A_65, %get3A_63 : vector<128x56xf32>
    %add3A_67 = arith.addf %log3A, %mul3A_66 : vector<128x56xf32>
    %exp3A_68 = math.exp %add3A_67 : vector<128x56xf32>
    %mul3A_69 = arith.mulf %exp3A_68, %convert_element_type3A_12 : vector<128x56xf32>
    %reduce_sum3A_70 = arith.constant dense<0.000000e+00> : vector<128xf32>
    %reduce_sum3A_71 = vector.multi_reduction <add>, %mul3A_69, %reduce_sum3A_70 [1] : vector<128x56xf32> to vector<128xf32>
    %broadcast_in_dim3A_72 = vector.shape_cast %reduce_sum3A_71 : vector<128xf32> to vector<128x1xf32>
    %add3A_73 = arith.constant 1.000000e-10 : f32
    %add3A_74 = vector.broadcast %add3A_73 : f32 to vector<128x1xf32>
    %add3A_75 = arith.addf %broadcast_in_dim3A_72, %add3A_74 : vector<128x1xf32>
    %div3A_76 = vector.broadcast %add3A_75 : vector<128x1xf32> to vector<128x56xf32>
    %div3A_77 = arith.divf %mul3A_69, %div3A_76 : vector<128x56xf32>
    %broadcast_in_dim3A_78 = vector.shape_cast %div3A_77 : vector<128x56xf32> to vector<128x56x1xf32>
    %mul3A_79 = vector.broadcast %broadcast_in_dim3A_78 : vector<128x56x1xf32> to vector<128x56x64xf32>
    %mul3A_80 = arith.mulf %mul3A_79, %get3A_19 : vector<128x56x64xf32>
    %reduce_sum3A_81 = arith.constant dense<0.000000e+00> : vector<128x64xf32>
    %reduce_sum3A_82 = vector.multi_reduction <add>, %mul3A_80, %reduce_sum3A_81 [1] : vector<128x56x64xf32> to vector<128x64xf32>
    %get3A_83 = arith.constant 0 : index
    %get3A_84 = arith.constant 0 : index
    %get3A_85 = vector.load %arg7[%get3A_83, %get3A_84] : memref<128x56xf32, #tpu.memory_space<vmem>>, vector<128x56xf32>
    %mul3A_86 = arith.constant 1.000000e-01 : f32
    %mul3A_87 = vector.broadcast %mul3A_86 : f32 to vector<128x56xf32>
    %mul3A_88 = arith.mulf %mul3A_87, %get3A_85 : vector<128x56xf32>
    %add3A_89 = arith.addf %log3A, %mul3A_88 : vector<128x56xf32>
    %exp3A_90 = math.exp %add3A_89 : vector<128x56xf32>
    %mul3A_91 = arith.mulf %exp3A_90, %convert_element_type3A_12 : vector<128x56xf32>
    %reduce_sum3A_92 = arith.constant dense<0.000000e+00> : vector<128xf32>
    %reduce_sum3A_93 = vector.multi_reduction <add>, %mul3A_91, %reduce_sum3A_92 [1] : vector<128x56xf32> to vector<128xf32>
    %broadcast_in_dim3A_94 = vector.shape_cast %reduce_sum3A_93 : vector<128xf32> to vector<128x1xf32>
    %add3A_95 = arith.constant 1.000000e-10 : f32
    %add3A_96 = vector.broadcast %add3A_95 : f32 to vector<128x1xf32>
    %add3A_97 = arith.addf %broadcast_in_dim3A_94, %add3A_96 : vector<128x1xf32>
    %div3A_98 = vector.broadcast %add3A_97 : vector<128x1xf32> to vector<128x56xf32>
    %div3A_99 = arith.divf %mul3A_91, %div3A_98 : vector<128x56xf32>
    %broadcast_in_dim3A_100 = vector.shape_cast %div3A_99 : vector<128x56xf32> to vector<128x56x1xf32>
    %mul3A_101 = vector.broadcast %broadcast_in_dim3A_100 : vector<128x56x1xf32> to vector<128x56x64xf32>
    %mul3A_102 = arith.mulf %mul3A_101, %get3A_19 : vector<128x56x64xf32>
    %reduce_sum3A_103 = arith.constant dense<0.000000e+00> : vector<128x64xf32>
    %reduce_sum3A_104 = vector.multi_reduction <add>, %mul3A_102, %reduce_sum3A_103 [1] : vector<128x56x64xf32> to vector<128x64xf32>
    %reduce_sum3A_105 = arith.constant dense<0.000000e+00> : vector<128xf32>
    %reduce_sum3A_106 = vector.multi_reduction <add>, %convert_element_type3A_12, %reduce_sum3A_105 [1] : vector<128x56xf32> to vector<128xf32>
    %broadcast_in_dim3A_107 = vector.shape_cast %reduce_sum3A_106 : vector<128xf32> to vector<128x1xf32>
    %max3A = arith.constant 1.000000e+00 : f32
    %max3A_108 = vector.broadcast %max3A : f32 to vector<128x1xf32>
    %max3A_109 = arith.maximumf %broadcast_in_dim3A_107, %max3A_108 : vector<128x1xf32>
    %log3A_110 = math.log %max3A_109 : vector<128x1xf32>
    %neg3A = arith.constant 0.000000e+00 : f32
    %neg3A_111 = vector.broadcast %neg3A : f32 to vector<128x1xf32>
    %neg3A_112 = arith.subf %neg3A_111, %log3A_110 : vector<128x1xf32>
    %log3A_113 = arith.constant 1.000000e+01 : f32
    %log3A_114 = math.log %log3A_113 : f32
    %sub3A_115 = arith.constant 5.000000e-01 : f32
    %sub3A_116 = arith.subf %log3A_114, %sub3A_115 : f32
    %sub3A_117 = vector.broadcast %neg3A_112 : vector<128x1xf32> to vector<128x56xf32>
    %sub3A_118 = arith.subf %log3A, %sub3A_117 : vector<128x56xf32>
    %integer_pow3A = arith.mulf %sub3A_118, %sub3A_118 : vector<128x56xf32>
    %add3A_119 = arith.constant 0.00999999977 : f32
    %add3A_120 = vector.broadcast %add3A_119 : f32 to vector<128x56xf32>
    %add3A_121 = arith.addf %add3A_120, %integer_pow3A : vector<128x56xf32>
    %div3A_122 = arith.constant 2.000000e+00 : f32
    %div3A_123 = vector.broadcast %div3A_122 : f32 to vector<128x56xf32>
    %div3A_124 = arith.divf %add3A_121, %div3A_123 : vector<128x56xf32>
    %add3A_125 = vector.broadcast %sub3A_116 : f32 to vector<128x56xf32>
    %add3A_126 = arith.addf %add3A_125, %div3A_124 : vector<128x56xf32>
    %mul3A_127 = arith.mulf %add3A_126, %convert_element_type3A_12 : vector<128x56xf32>
    %reduce_sum3A_128 = vector.shape_cast %mul3A_127 : vector<128x56xf32> to vector<1x128x56xf32>
    %reduce_sum3A_129 = arith.constant dense<0.000000e+00> : vector<1xf32>
    %reduce_sum3A_130 = vector.multi_reduction <add>, %reduce_sum3A_128, %reduce_sum3A_129 [1, 2] : vector<1x128x56xf32> to vector<1xf32>
    %reduce_sum3A_131 = vector.shape_cast %reduce_sum3A_130 : vector<1xf32> to vector<1x1x1xf32>
    %reduce_sum3A_132 = vector.extract %reduce_sum3A_131[0, 0, 0] : f32 from vector<1x1x1xf32>
    %reduce_sum3A_133 = vector.shape_cast %convert_element_type3A_12 : vector<128x56xf32> to vector<1x128x56xf32>
    %reduce_sum3A_134 = arith.constant dense<0.000000e+00> : vector<1xf32>
    %reduce_sum3A_135 = vector.multi_reduction <add>, %reduce_sum3A_133, %reduce_sum3A_134 [1, 2] : vector<1x128x56xf32> to vector<1xf32>
    %reduce_sum3A_136 = vector.shape_cast %reduce_sum3A_135 : vector<1xf32> to vector<1x1x1xf32>
    %reduce_sum3A_137 = vector.extract %reduce_sum3A_136[0, 0, 0] : f32 from vector<1x1x1xf32>
    %mul3A_138 = arith.mulf %reduce_sum3A_82, %get3A_15 : vector<128x64xf32>
    %get3A_139 = arith.constant 0 : index
    %get3A_140 = arith.constant 0 : index
    %get3A_141 = vector.load %arg12[%get3A_139, %get3A_140] : memref<1x64xf32, #tpu.memory_space<vmem>>, vector<1x64xf32>
    %get3A_142 = arith.constant 0 : index
    %get3A_143 = arith.constant 0 : index
    %get3A_144 = vector.load %arg13[%get3A_142, %get3A_143] : memref<1x64xf32, #tpu.memory_space<vmem>>, vector<1x64xf32>
    %reduce_sum3A_145 = arith.constant dense<0.000000e+00> : vector<128xf32>
    %reduce_sum3A_146 = vector.multi_reduction <add>, %mul3A_138, %reduce_sum3A_145 [1] : vector<128x64xf32> to vector<128xf32>
    %broadcast_in_dim3A_147 = vector.shape_cast %reduce_sum3A_146 : vector<128xf32> to vector<128x1xf32>
    %div3A_148 = arith.constant 6.400000e+01 : f32
    %div3A_149 = vector.broadcast %div3A_148 : f32 to vector<128x1xf32>
    %div3A_150 = arith.divf %broadcast_in_dim3A_147, %div3A_149 : vector<128x1xf32>
    %sub3A_151 = vector.broadcast %div3A_150 : vector<128x1xf32> to vector<128x64xf32>
    %sub3A_152 = arith.subf %mul3A_138, %sub3A_151 : vector<128x64xf32>
    %integer_pow3A_153 = arith.mulf %sub3A_152, %sub3A_152 : vector<128x64xf32>
    %reduce_sum3A_154 = arith.constant dense<0.000000e+00> : vector<128xf32>
    %reduce_sum3A_155 = vector.multi_reduction <add>, %integer_pow3A_153, %reduce_sum3A_154 [1] : vector<128x64xf32> to vector<128xf32>
    %broadcast_in_dim3A_156 = vector.shape_cast %reduce_sum3A_155 : vector<128xf32> to vector<128x1xf32>
    %div3A_157 = arith.constant 6.400000e+01 : f32
    %div3A_158 = vector.broadcast %div3A_157 : f32 to vector<128x1xf32>
    %div3A_159 = arith.divf %broadcast_in_dim3A_156, %div3A_158 : vector<128x1xf32>
    %sub3A_160 = vector.broadcast %div3A_150 : vector<128x1xf32> to vector<128x64xf32>
    %sub3A_161 = arith.subf %mul3A_138, %sub3A_160 : vector<128x64xf32>
    %add3A_162 = arith.constant 9.99999974E-6 : f32
    %add3A_163 = vector.broadcast %add3A_162 : f32 to vector<128x1xf32>
    %add3A_164 = arith.addf %div3A_159, %add3A_163 : vector<128x1xf32>
    %sqrt3A = math.sqrt %add3A_164 : vector<128x1xf32>
    %div3A_165 = vector.broadcast %sqrt3A : vector<128x1xf32> to vector<128x64xf32>
    %div3A_166 = arith.divf %sub3A_161, %div3A_165 : vector<128x64xf32>
    %mul3A_167 = vector.broadcast %get3A_141 : vector<1x64xf32> to vector<128x64xf32>
    %mul3A_168 = arith.mulf %div3A_166, %mul3A_167 : vector<128x64xf32>
    %add3A_169 = vector.broadcast %get3A_144 : vector<1x64xf32> to vector<128x64xf32>
    %add3A_170 = arith.addf %mul3A_168, %add3A_169 : vector<128x64xf32>
    %get3A_171 = arith.constant 0 : index
    %get3A_172 = arith.constant 0 : index
    %get3A_173 = vector.load %arg4[%get3A_171, %get3A_172] : memref<128x64xf32, #tpu.memory_space<vmem>>, vector<128x64xf32>
    %mul3A_174 = arith.mulf %reduce_sum3A_104, %get3A_173 : vector<128x64xf32>
    %get3A_175 = arith.constant 0 : index
    %get3A_176 = arith.constant 0 : index
    %get3A_177 = vector.load %arg14[%get3A_175, %get3A_176] : memref<1x64xf32, #tpu.memory_space<vmem>>, vector<1x64xf32>
    %get3A_178 = arith.constant 0 : index
    %get3A_179 = arith.constant 0 : index
    %get3A_180 = vector.load %arg15[%get3A_178, %get3A_179] : memref<1x64xf32, #tpu.memory_space<vmem>>, vector<1x64xf32>
    %reduce_sum3A_181 = arith.constant dense<0.000000e+00> : vector<128xf32>
    %reduce_sum3A_182 = vector.multi_reduction <add>, %mul3A_174, %reduce_sum3A_181 [1] : vector<128x64xf32> to vector<128xf32>
    %broadcast_in_dim3A_183 = vector.shape_cast %reduce_sum3A_182 : vector<128xf32> to vector<128x1xf32>
    %div3A_184 = arith.constant 6.400000e+01 : f32
    %div3A_185 = vector.broadcast %div3A_184 : f32 to vector<128x1xf32>
    %div3A_186 = arith.divf %broadcast_in_dim3A_183, %div3A_185 : vector<128x1xf32>
    %sub3A_187 = vector.broadcast %div3A_186 : vector<128x1xf32> to vector<128x64xf32>
    %sub3A_188 = arith.subf %mul3A_174, %sub3A_187 : vector<128x64xf32>
    %integer_pow3A_189 = arith.mulf %sub3A_188, %sub3A_188 : vector<128x64xf32>
    %reduce_sum3A_190 = arith.constant dense<0.000000e+00> : vector<128xf32>
    %reduce_sum3A_191 = vector.multi_reduction <add>, %integer_pow3A_189, %reduce_sum3A_190 [1] : vector<128x64xf32> to vector<128xf32>
    %broadcast_in_dim3A_192 = vector.shape_cast %reduce_sum3A_191 : vector<128xf32> to vector<128x1xf32>
    %div3A_193 = arith.constant 6.400000e+01 : f32
    %div3A_194 = vector.broadcast %div3A_193 : f32 to vector<128x1xf32>
    %div3A_195 = arith.divf %broadcast_in_dim3A_192, %div3A_194 : vector<128x1xf32>
    %sub3A_196 = vector.broadcast %div3A_186 : vector<128x1xf32> to vector<128x64xf32>
    %sub3A_197 = arith.subf %mul3A_174, %sub3A_196 : vector<128x64xf32>
    %add3A_198 = arith.constant 9.99999974E-6 : f32
    %add3A_199 = vector.broadcast %add3A_198 : f32 to vector<128x1xf32>
    %add3A_200 = arith.addf %div3A_195, %add3A_199 : vector<128x1xf32>
    %sqrt3A_201 = math.sqrt %add3A_200 : vector<128x1xf32>
    %div3A_202 = vector.broadcast %sqrt3A_201 : vector<128x1xf32> to vector<128x64xf32>
    %div3A_203 = arith.divf %sub3A_197, %div3A_202 : vector<128x64xf32>
    %mul3A_204 = vector.broadcast %get3A_177 : vector<1x64xf32> to vector<128x64xf32>
    %mul3A_205 = arith.mulf %div3A_203, %mul3A_204 : vector<128x64xf32>
    %add3A_206 = vector.broadcast %get3A_180 : vector<1x64xf32> to vector<128x64xf32>
    %add3A_207 = arith.addf %mul3A_205, %add3A_206 : vector<128x64xf32>
    %mul3A_208 = arith.mulf %add3A_170, %add3A_207 : vector<128x64xf32>
    %get3A_209 = arith.constant 0 : index
    %get3A_210 = arith.constant 0 : index
    %get3A_211 = vector.load %arg16[%get3A_209, %get3A_210] : memref<1x64xf32, #tpu.memory_space<vmem>>, vector<1x64xf32>
    %mul3A_212 = vector.broadcast %get3A_211 : vector<1x64xf32> to vector<128x64xf32>
    %mul3A_213 = arith.mulf %mul3A_208, %mul3A_212 : vector<128x64xf32>
    %reduce_sum3A_214 = arith.constant dense<0.000000e+00> : vector<128xf32>
    %reduce_sum3A_215 = vector.multi_reduction <add>, %mul3A_213, %reduce_sum3A_214 [1] : vector<128x64xf32> to vector<128xf32>
    %broadcast_in_dim3A_216 = vector.shape_cast %reduce_sum3A_215 : vector<128xf32> to vector<128x1xf32>
    %get3A_217 = arith.constant 0 : index
    %get3A_218 = arith.constant 0 : index
    %get3A_219 = vector.load %arg17[%get3A_217, %get3A_218] : memref<1x1xf32, #tpu.memory_space<vmem>>, vector<1x1xf32>
    %add3A_220 = vector.broadcast %get3A_219 : vector<1x1xf32> to vector<128x1xf32>
    %add3A_221 = arith.addf %broadcast_in_dim3A_216, %add3A_220 : vector<128x1xf32>
    %swap3A = arith.constant 0 : index
    %swap3A_222 = arith.constant 0 : index
    %swap3A_223 = vector.load %arg18[%swap3A, %swap3A_222] : memref<128x1xf32, #tpu.memory_space<vmem>>, vector<128x1xf32>
    tpu.vector_store %arg18[%swap3A, %swap3A_222], %add3A_221 {strides = array<i32>} : memref<128x1xf32, #tpu.memory_space<vmem>>, vector<128x1xf32>,
    %eq3A_224 = arith.constant 0 : i32
    %eq3A_225 = arith.cmpi eq, %arg0, %eq3A_224 : i32
    %convert_element_type3A_226 = arith.extui %eq3A_225 : i1 to i32
    %cond3A = arith.constant 0 : i32
    %cond3A_227 = arith.cmpi ne, %convert_element_type3A_226, %cond3A : i32
    scf.if %cond3A_227 {
      %broadcast_in_dim3A_244 = arith.constant 0.000000e+00 : f32
      %broadcast_in_dim3A_245 = vector.broadcast %broadcast_in_dim3A_244 : f32 to vector<1x1xf32>
      %swap3A_246 = arith.constant 0 : index
      %swap3A_247 = arith.constant 0 : index
      %swap3A_248 = vector.load %arg19[%swap3A_246, %swap3A_247] : memref<1x1xf32, #tpu.memory_space<vmem>>, vector<1x1xf32>
      tpu.vector_store %arg19[%swap3A_246, %swap3A_247], %broadcast_in_dim3A_245 {strides = array<i32>} : memref<1x1xf32, #tpu.memory_space<vmem>>, vector<1x1xf32>,
      %broadcast_in_dim3A_249 = arith.constant 0.000000e+00 : f32
      %broadcast_in_dim3A_250 = vector.broadcast %broadcast_in_dim3A_249 : f32 to vector<1x1xf32>
      %swap3A_251 = arith.constant 0 : index
      %swap3A_252 = arith.constant 0 : index
      %swap3A_253 = vector.load %arg20[%swap3A_251, %swap3A_252] : memref<1x1xf32, #tpu.memory_space<vmem>>, vector<1x1xf32>
      tpu.vector_store %arg20[%swap3A_251, %swap3A_252], %broadcast_in_dim3A_250 {strides = array<i32>} : memref<1x1xf32, #tpu.memory_space<vmem>>, vector<1x1xf32>,
    } else {
    }
    %get3A_228 = arith.constant 0 : index
    %get3A_229 = arith.constant 0 : index
    %get3A_230 = vector.load %arg19[%get3A_228, %get3A_229] : memref<1x1xf32, #tpu.memory_space<vmem>>, vector<1x1xf32>
    %reshape3A_231 = vector.broadcast %reduce_sum3A_132 : f32 to vector<1x1xf32>
    %add3A_232 = arith.addf %get3A_230, %reshape3A_231 : vector<1x1xf32>
    %swap3A_233 = arith.constant 0 : index
    %swap3A_234 = arith.constant 0 : index
    %swap3A_235 = vector.load %arg19[%swap3A_233, %swap3A_234] : memref<1x1xf32, #tpu.memory_space<vmem>>, vector<1x1xf32>
    tpu.vector_store %arg19[%swap3A_233, %swap3A_234], %add3A_232 {strides = array<i32>} : memref<1x1xf32, #tpu.memory_space<vmem>>, vector<1x1xf32>,
    %get3A_236 = arith.constant 0 : index
    %get3A_237 = arith.constant 0 : index
    %get3A_238 = vector.load %arg20[%get3A_236, %get3A_237] : memref<1x1xf32, #tpu.memory_space<vmem>>, vector<1x1xf32>
    %reshape3A_239 = vector.broadcast %reduce_sum3A_137 : f32 to vector<1x1xf32>
    %add3A_240 = arith.addf %get3A_238, %reshape3A_239 : vector<1x1xf32>
    %swap3A_241 = arith.constant 0 : index
    %swap3A_242 = arith.constant 0 : index
    %swap3A_243 = vector.load %arg20[%swap3A_241, %swap3A_242] : memref<1x1xf32, #tpu.memory_space<vmem>>, vector<1x1xf32>
    tpu.vector_store %arg20[%swap3A_241, %swap3A_242], %add3A_240 {strides = array<i32>} : memref<1x1xf32, #tpu.memory_space<vmem>>, vector<1x1xf32>,
    return
  }
  func.func @transform_0(%arg0: i32) -> (i32, i32) {
    %c0_i32 = arith.constant 0 : i32
    %c0_i32_0 = arith.constant 0 : i32
    return %arg0, %c0_i32 : i32, i32
  }
  func.func @transform_1(%arg0: i32) -> (i32, i32) {
    %c0_i32 = arith.constant 0 : i32
    %c0_i32_0 = arith.constant 0 : i32
    return %arg0, %c0_i32 : i32, i32
  }
  func.func @transform_2(%arg0: i32) -> (i32, i32) {
    %c0_i32 = arith.constant 0 : i32
    %c0_i32_0 = arith.constant 0 : i32
    return %arg0, %c0_i32 : i32, i32
  }
  func.func @transform_3(%arg0: i32) -> (i32, i32) {
    %c0_i32 = arith.constant 0 : i32
    %c0_i32_0 = arith.constant 0 : i32
    return %arg0, %c0_i32 : i32, i32
  }
  func.func @transform_4(%arg0: i32) -> (i32, i32, i32) {
    %c0_i32 = arith.constant 0 : i32
    %c0_i32_0 = arith.constant 0 : i32
    %c0_i32_1 = arith.constant 0 : i32
    return %arg0, %c0_i32, %c0_i32_0 : i32, i32, i32
  }
  func.func @transform_5(%arg0: i32) -> (i32, i32) {
    %c0_i32 = arith.constant 0 : i32
    %c0_i32_0 = arith.constant 0 : i32
    return %arg0, %c0_i32 : i32, i32
  }
  func.func @transform_6(%arg0: i32) -> (i32, i32) {
    %c0_i32 = arith.constant 0 : i32
    %c0_i32_0 = arith.constant 0 : i32
    return %arg0, %c0_i32 : i32, i32
  }
  func.func @transform_7(%arg0: i32) -> (i32, i32) {
    %c0_i32 = arith.constant 0 : i32
    %c0_i32_0 = arith.constant 0 : i32
    %c0_i32_1 = arith.constant 0 : i32
    return %c0_i32, %c0_i32_0 : i32, i32
  }
  func.func @transform_8(%arg0: i32) -> (i32, i32) {
    %c0_i32 = arith.constant 0 : i32
    %c0_i32_0 = arith.constant 0 : i32
    %c0_i32_1 = arith.constant 0 : i32
    return %c0_i32, %c0_i32_0 : i32, i32
  }
  func.func @transform_9(%arg0: i32) -> (i32, i32) {
    %c0_i32 = arith.constant 0 : i32
    %c0_i32_0 = arith.constant 0 : i32
    %c0_i32_1 = arith.constant 0 : i32
    return %c0_i32, %c0_i32_0 : i32, i32
  }
  func.func @transform_10(%arg0: i32) -> (i32, i32) {
    %c0_i32 = arith.constant 0 : i32
    %c0_i32_0 = arith.constant 0 : i32
    %c0_i32_1 = arith.constant 0 : i32
    return %c0_i32, %c0_i32_0 : i32, i32
  }
  func.func @transform_11(%arg0: i32) -> (i32, i32) {
    %c0_i32 = arith.constant 0 : i32
    %c0_i32_0 = arith.constant 0 : i32
    %c0_i32_1 = arith.constant 0 : i32
    return %c0_i32, %c0_i32_0 : i32, i32
  }
  func.func @transform_12(%arg0: i32) -> (i32, i32) {
    %c0_i32 = arith.constant 0 : i32
    %c0_i32_0 = arith.constant 0 : i32
    %c0_i32_1 = arith.constant 0 : i32
    return %c0_i32, %c0_i32_0 : i32, i32
  }
  func.func @transform_13(%arg0: i32) -> (i32, i32) {
    %c0_i32 = arith.constant 0 : i32
    %c0_i32_0 = arith.constant 0 : i32
    %c0_i32_1 = arith.constant 0 : i32
    return %c0_i32, %c0_i32_0 : i32, i32
  }
  func.func @transform_14(%arg0: i32) -> (i32, i32) {
    %c0_i32 = arith.constant 0 : i32
    %c0_i32_0 = arith.constant 0 : i32
    %c0_i32_1 = arith.constant 0 : i32
    return %c0_i32, %c0_i32_0 : i32, i32
  }
  func.func @transform_15(%arg0: i32) -> (i32, i32) {
    %c0_i32 = arith.constant 0 : i32
    %c0_i32_0 = arith.constant 0 : i32
    %c0_i32_1 = arith.constant 0 : i32
    return %c0_i32, %c0_i32_0 : i32, i32
  }
  func.func @transform_16(%arg0: i32) -> (i32, i32) {
    %c0_i32 = arith.constant 0 : i32
    %c0_i32_0 = arith.constant 0 : i32
    %c0_i32_1 = arith.constant 0 : i32
    return %c0_i32, %c0_i32_0 : i32, i32
  }
  func.func @transform_17(%arg0: i32) -> (i32, i32) {
    %c0_i32 = arith.constant 0 : i32
    %c0_i32_0 = arith.constant 0 : i32
    return %arg0, %c0_i32 : i32, i32
  }
  func.func @transform_18(%arg0: i32) -> (i32, i32) {
    %c0_i32 = arith.constant 0 : i32
    %c0_i32_0 = arith.constant 0 : i32
    %c0_i32_1 = arith.constant 0 : i32
    return %c0_i32, %c0_i32_0 : i32, i32
  }
  func.func @transform_19(%arg0: i32) -> (i32, i32) {
    %c0_i32 = arith.constant 0 : i32
    %c0_i32_0 = arith.constant 0 : i32
    %c0_i32_1 = arith.constant 0 : i32
    return %c0_i32, %c0_i32_0 : i32, i32
  }
}

</mosaic_0001>

<sc_bundles>
// kernel: kernel.4.cloned.1.call-start
scs
__scs_entry_jumppad:
0x0: {  	(pc) =	sbr.rel $0x88, $3  }
0x1: {  	(tag) =	ssettag $0x0;
	lr =	simm.s32 $0x1  }
0x2: {  	[smem:$0x3F92] =	sst lr;
	_ =	strace $0xD0000000  }
0x3: {  	_ = 	snop  }
0x4: {  	_ = 	snop  }
0x5: {  	_ = 	snop  }
0x6: {  	_ = 	snop  }
0x7: {  	_ = 	snop  }
__scs_overlays_trampoline_lowered:
0x8: {  	[smem:$0x3FA1] =	sst s0  }
0x9: {  	[smem:$0x3FA2] =	sst s1  }
0xa: {  	[smem:$0x3FA3] =	sst s2  }
0xb: {  	[smem:$0x3FA4] =	sst s3  }
0xc: {  	[smem:$0x3FA5] =	sst s4  }
0xd: {  	[smem:$0x3FA6] =	sst s5  }
0xe: {  	[smem:$0x3FA7] =	sst s6  }
0xf: {  	[smem:$0x3FA8] =	sst s7  }
0x10: {  	[smem:$0x3FA9] =	sst s8  }
0x11: {  	[smem:$0x3FAA] =	sst s9;
	s0 =	simm.s32 @!p0 $0x0  }
0x12: {  	s1 =	sld [smem:$0x3F90];
	s0 =	simm.s32 @p0 $0x1  }
0x13: {  	[smem:$0x3FAB] =	sst s0;
	s0 =	simm.s32 @!p1 $0x0  }
0x14: {  	s2 =	sld [smem:$0x3F8F];
	s0 =	simm.s32 @p1 $0x1  }
0x15: {  	[smem:$0x3FAC] =	sst s0;
	s0 =	simm.s32 @!p2 $0x0  }
0x16: {  	s3 =	sld [smem:$0x3FDB];
	s0 =	simm.s32 @p2 $0x1  }
0x17: {  	s4 =	simm.s32 $0x1BF5;
	[smem:$0x3FAE] =	sst s0  }
0x18: {  	s0 =	sld [smem:$0x3F91];
	_ =	swait.ge [sflag:s4], $0x0  }
0x19: {  	s7 =	sld [smem:$0x3F92]  }
0x1a: {  	s8 =	sadd.s32 $0xFFFFE003, lr  }
0x1b: {  	s9 =	sadd.s32 $0xFFFFFEF7, lr;
	s5 =	simm.s32 $0xFFFFFFFF;
	p2 =	slt.u32 s8, $0xFFFFF086  }
0x1c: {  	p1 =	slt.u32 s9, $0xF7A;
	s5 =	simm.s32 @!p2 $0x0  }
0x1d: {  	s5 =	simm.s32 @p1 $0x1;
	p0 =	seq.s32 s7, s2  }
0x1e: {  	s7 =	smul.u32 @!p0 $0xF7A, s2;
	p2 =	seq.s32 @!p0 s5, $0x0  }
0x1f: {  	s9 =	smul.u32 $0xF7A, s1;
	s8 =	simm.s32 @!p0 $0x1BF5;
	p2 =	por !p2, p0  }
0x20: {  	[sflag:s8] =	ssyncset.s32 @!p0 $0xFFFFF086;
	s6 =	sadd.s32 @!p0 s3, s7;
	s7 =	simm.s32 @!p0 $0x108  }
0x21: {  	s3 =	sadd.s32 s3, s9;
	s6 =	sadd.s32 @!p0 $0x88, s6;
	s7 =	simm.s32 @p2 $0x1082  }
0x22: {  	[simem:s7], [sflag:s8] =	dma.local @!p0 [hbm:s6], $0xF7A  }
0x23: {  	s9 =	sor.u32 $0xD0000000, s2;
	s6 =	simm.s32 $0x108;
	_ =	swait.ge @!p0 [sflag:s8], $0x0  }
0x24: {  	s3 =	sadd.s32 $0x88, s3;
	s6 =	simm.s32 @!p1 $0x1082;
	[sflag:s4] =	ssyncset.s32 $0xFFFFF086  }
0x25: {  	[simem:s6], [sflag:s4] =	dma.local [hbm:s3], $0xF7A  }
0x26: {  	[smem:$0x3F92] =	sst s1;
	(tag) =	ssettag s2;
	_ =	strace s9  }
0x27: {  	s1 =	sld [smem:$0x3FA2]  }
0x28: {  	s2 =	sld [smem:$0x3FA3]  }
0x29: {  	s4 =	sld [smem:$0x3FA5]  }
0x2a: {  	p0 =	seq.s32 s5, $0x0;
	s5 =	sld [smem:$0x3FA6]  }
0x2b: {  	s6 =	sld [smem:$0x3FA7]  }
0x2c: {  	s7 =	sld [smem:$0x3FA8]  }
0x2d: {  	s3 =	simm.s32 $0x108;
	s8 =	sld [smem:$0x3FA9]  }
0x2e: {  	s3 =	simm.s32 @!p0 $0x1082;
	s9 =	sld [smem:$0x3FAA]  }
0x2f: {  	lr =	sadd.s32 s0, s3;
	s0 =	sld [smem:$0x3FA1]  }
0x30: {  	s3 =	sld [smem:$0x3FA4]  }
0x31: {  	[smem:$0x3FAD] =	sst s10  }
0x32: {  	s10 =	sld [smem:$0x3FAB];
	_ =	sdelay $0x3  }
0x33: {  	p0 =	seq.s32 s10, $0x1;
	s10 =	sld [smem:$0x3FAD];
	_ =	sdelay $0x3  }
0x34: {  	[smem:$0x3FAD] =	sst s10  }
0x35: {  	s10 =	sld [smem:$0x3FAC];
	_ =	sdelay $0x3  }
0x36: {  	p1 =	seq.s32 s10, $0x1;
	s10 =	sld [smem:$0x3FAD];
	_ =	sdelay $0x3  }
0x37: {  	[smem:$0x3FAD] =	sst s10  }
0x38: {  	s10 =	sld [smem:$0x3FAE]  }
0x39: {  	_ = 	snop;
	(pc) =	sbr.ind lr, $3  }
0x3a: {  	_ = 	snop  }
0x3b: {  	_ = 	snop  }
0x3c: {  	p2 =	seq.s32 s10, $0x1;
	s10 =	sld [smem:$0x3FAD]  }
0x3d: {  	_ =	shalt  }
0x3e: {  	_ =	shalt  }
0x3f: {  	_ =	shalt  }
0x40: {  	_ =	shalt  }
0x41: {  	_ =	shalt  }
0x42: {  	_ =	shalt  }
0x43: {  	_ =	shalt  }
0x44: {  	_ =	shalt  }
0x45: {  	_ =	shalt  }
0x46: {  	_ =	shalt  }
0x47: {  	_ =	shalt  }
0x48: {  	_ =	shalt  }
0x49: {  	_ =	shalt  }
0x4a: {  	_ =	shalt  }
0x4b: {  	_ =	shalt  }
0x4c: {  	_ =	shalt  }
0x4d: {  	_ =	shalt  }
0x4e: {  	_ =	shalt  }
0x4f: {  	_ =	shalt  }
0x50: {  	_ =	shalt  }
0x51: {  	_ =	shalt  }
0x52: {  	_ =	shalt  }
0x53: {  	_ =	shalt  }
0x54: {  	_ =	shalt  }
0x55: {  	_ =	shalt  }
0x56: {  	_ =	shalt  }
0x57: {  	_ =	shalt  }
0x58: {  	_ =	shalt  }
0x59: {  	_ =	shalt  }
0x5a: {  	_ =	shalt  }
0x5b: {  	_ =	shalt  }
0x5c: {  	_ =	shalt  }
0x5d: {  	_ =	shalt  }
0x5e: {  	_ =	shalt  }
0x5f: {  	_ =	shalt  }
0x60: {  	_ =	shalt  }
0x61: {  	_ =	shalt  }
0x62: {  	_ =	shalt  }
0x63: {  	_ =	shalt  }
0x64: {  	_ =	shalt  }
0x65: {  	_ =	shalt  }
0x66: {  	_ =	shalt  }
0x67: {  	_ =	shalt  }
0x68: {  	_ =	shalt  }
0x69: {  	_ =	shalt  }
0x6a: {  	_ =	shalt  }
0x6b: {  	_ =	shalt  }
0x6c: {  	_ =	shalt  }
0x6d: {  	_ =	shalt  }
0x6e: {  	_ =	shalt  }
0x6f: {  	_ =	shalt  }
0x70: {  	_ =	shalt  }
0x71: {  	_ =	shalt  }
0x72: {  	_ =	shalt  }
0x73: {  	_ =	shalt  }
0x74: {  	_ =	shalt  }
0x75: {  	_ =	shalt  }
0x76: {  	_ =	shalt  }
0x77: {  	_ =	shalt  }
0x78: {  	_ =	shalt  }
0x79: {  	_ =	shalt  }
0x7a: {  	_ =	shalt  }
0x7b: {  	_ =	shalt  }
0x7c: {  	_ =	shalt  }
0x7d: {  	_ =	shalt  }
0x7e: {  	_ =	shalt  }
0x7f: {  	_ =	shalt  }
0x80: {  	_ =	shalt  }
0x81: {  	_ =	shalt  }
0x82: {  	_ =	shalt  }
0x83: {  	_ =	shalt  }
0x84: {  	_ =	shalt  }
0x85: {  	_ =	shalt  }
0x86: {  	_ =	shalt  }
0x87: {  	_ =	shalt  }
.Lfunc_end0:
.L_simem_size_0:
called_computation_lowered:
.L_overlay_start_0:
0x88: {  	s2 =	sld [smem:$0x3FD9]  }
0x89: {  	s3 =	sld [smem:$0x3FFE];
	_ =	sdelay $0x1  }
0x8a: {  	s1 =	srdreg.scid  }
0x8b: {  	s0 =	sand.u32 $0x1, s1  }
0x8c: {  	s17 =	sshll.u32 s0, $0xA;
	s2 =	sadd.s32 s3, s2  }
0x8d: {  	s2 =	sadd.s32 s2, s17  }
0x8e: {  	[smem:$0x3FB9] =	sst s2  }
0x8f: {  	_ = 	snop  }
0x90: {  	s2 =	sld [smem:$0x3FC9]  }
0x91: {  	s18 =	sld [smem:$0x3FC8];
	(tm) =	ssettm $0x1  }
0x92: {  	s4 =	sld [smem:$0x3FFB];
	_ =	sdelay $0x3  }
0x93: {  	_ =	strace s4  }
0x94: {  	s4 =	sld [smem:$0x3FFC];
	_ =	sdelay $0x3  }
0x95: {  	_ =	strace s4  }
0x96: {  	s4 =	sld [smem:$0x3FFD];
	_ =	sdelay $0x3  }
0x97: {  	_ =	strace s4  }
0x98: {  	_ =	strace $0x8FFFFFFF  }
0x99: {  	s19 =	sld [smem:$0x3FDB];
	_ =	sdelay $0x1  }
0x9a: {  	s5 =	simm.s32 $_scs_section_size  }
0x9b: {  	s6 =	simm.s32 $_size__tile_overlayer_lowered;
	s7 =	simm.s32 $_tile_overlayer_lowered  }
0x9c: {  	s22 =	simm.s32 $0x1BFF;
	s21 =	sshll.u32 s7, $0x1;
	s4 =	sadd.s32 s5, s19  }
0x9d: {  	s8 =	simm.s32 $0x0;
	s20 =	sshll.u32 s6, $0x1;
	s6 =	sadd.s32 s21, s4  }
0x9e: {  	[timem:s8], [sflag:s22] =	dma.local [hbm:s6], s20  }
0x9f: {  	_ =	swait.ge [sflag:s22], s20  }
0xa0: {  	s5 =	ssub.s32 $0x0, s20;
	[sflag:s22] =	ssyncset.done $0x0  }
0xa1: {  	[sflag:s22] =	ssyncadd.s32 s5;
	_ =	sdelay $0x1  }
0xa2: {  	s23 =	simm.s32 $0x1B8B  }
0xa3: {  	_ =	swait.ge [sflag:s23], $0x1  }
0xa4: {  	[sflag:s23] =	ssyncset.done $0x0  }
0xa5: {  	s25 =	simm.s32 $0x1B8E;
	s24 =	sld [smem:$0x3FFE];
	[sflag:s23] =	ssyncadd.s32 $0xFFFFFFFF  }
0xa6: {  	s26 =	simm.s32 $execute0_lowered;
	[smem:$0x3FD2] =	sst s25  }
0xa7: {  	s6 =	sshll.u32 s26, $0x1;
	_ =	strace $0x80000046;
	[dreg:$0x1] =	wrdreg $0xFFFFFFFF  }
0xa8: {  	s28 =	simm.s32 $_size_execute0_lowered;
	s4 =	sadd.s32 s4, s6;
	[dreg:$0x0] =	wrdreg $0x0  }
0xa9: {  	s6 =	sshll.u32 s28, $0x1;
	[dreg:$0x2] =	wrdreg s4  }
0xaa: {  	[dreg:$0x3] =	wrdreg s6  }
0xab: {  	[dreg:$0x4] =	wrdreg $0xC0  }
0xac: {  	_ =	task [dreg:s8], $0x5FFFF  }
0xad: {  	[dreg:$0x1] =	wrdreg $0xFFFFFFFF  }
0xae: {  	[dreg:$0x0] =	wrdreg $0x60  }
0xaf: {  	[dreg:$0x2] =	wrdreg s2  }
0xb0: {  	[dreg:$0x3] =	wrdreg s18  }
0xb1: {  	[dreg:$0x4] =	wrdreg s24  }
0xb2: {  	[dreg:$0x5] =	wrdreg $0x9  }
0xb3: {  	_ =	task.clear_ibuf [dreg:s8], $0x6FFFF;
	_ =	strace $0x90000046  }
0xb4: {  	s29 =	simm.s32 $0x9;
	_ =	strace $0x80000048  }
0xb5: {  	_ =	swait.ge [sflag:s29], $0x1  }
0xb6: {  	[sflag:s29] =	ssyncadd.s32 $0xFFFFFFFF  }
0xb7: {  	_ =	strace $0x90000048  }
0xb8: {  	_ =	sfence  }
0xb9: {  	s30 =	sld [smem:$0x0];
	_ =	sdelay $0x2  }
0xba: {  	s31 =	sshll.u32 s1, $0xD;
	s1 =	sshrl.u32 s1, $0x2  }
0xbb: {  	s3 =	sand.u32 $0x4000, s31;
	s1 =	sadd.s32 s1, s30  }
0xbc: {  	s0 =	sor.u32 s3, s0;
	s1 =	sshll.u32 s1, $0x11  }
0xbd: {  	s0 =	sor.u32 s1, s0  }
0xbe: {  	s0 =	sadd.s32 $0x8F2B, s0  }
0xbf: {  	[sflag:s0] =	ssyncadd.remote.s32 $0x1  }
0xc0: {  	_ =	sfence.sel $0xFFFF  }
0xc1: {  	[dreg:$0x0] =	wrdreg $0xFFFFFFFF;
	(pc) =	sbr.abs _section_cstart, $3  }
0xc2: {  	[dreg:$0x1] =	wrdreg $0xFFFFFFFF  }
0xc3: {  	_ =	task.clear_ibuf [dreg:s8], $0x2FFFF;
	_ =	strace $0x9FFFFFFF  }
0xc4: {  	(tm) =	ssettm $0x7FFFFFFF  }
0xc5: {  	_ =	shalt  }
tec
execute0_lowered:
.L_overlay_start_1:
0x0: {  	(tag) =	ssettag $0x1  }
0x1: {  	s6 =	rddreg [dreg:$0x0]  }
0x2: {  	s9 =	rddreg [dreg:$0x1]  }
0x3: {  	s7 =	rddreg [dreg:$0x2]  }
0x4: {  	s0 =	rddreg [dreg:$0x3]  }
0x5: {  	s2 =	simm.s32 $0x0;
	s3 =	srdreg.scid;
	s1 =	stileid.u32  }
0x6: {  	s15 =	simm.s32 $0x1;
	s16 =	simm.s32 $0x2080;
	s17 =	simm.s32 $0x38  }
0x7: {  	s18 =	simm.s32 $0x2;
	s19 =	simm.s32 $0x0;
	[smem:$0x7FF] =	sst s2  }
0x8: {  	s8 =	sand.u32 $0x1, s3;
	s3 =	sadd.s32 $0x4200, s7;
	s4 =	sadd.s32 $0x311A00, s7  }
0x9: {  	s5 =	sshll.u32 s1, $0x8;
	s11 =	smul.u32 $0x1C000, s1;
	_ =	strace $0x80000047  }
0xa: {  	s10 =	sshll.u32 s8, $0x7;
	s13 =	ssub.s32 $0x2, s8;
	s14 =	smul.u32 $0xE000, s8  }
0xb: {  	s10 =	sor.u32 s10, s5;
	s5 =	sadd.s32 $0x24E400, s7;
	s30 =	sshrl.u32 s13, $0x1  }
0xc: {  	s11 =	sadd.s32 s11, s7;
	s12 =	sshll.u32 s10, $0x3;
	s13 =	ssub.s32 s13, s30  }
0xd: {  	s10 =	sshrl.u32 s10, $0x3;
	s31 =	sadd.s32 s14, s11;
	s14 =	simm.s32 $0x80  }
0xe: {  	s12 =	sadd.s32 s12, s7;
	s6 =	sadd.s32 s6, s10;
	s9 =	sadd.s32 s9, s10  }
0xf: {  	s11 =	smax.u32 s13, $0x1;
	s13 =	simm.s32 $0x3;
	s7 =	sadd.s32 $0xC7800, s12  }
0x10: {  	s8 =	sadd.s32 $0xD7800, s12;
	s10 =	sadd.s32 $0xCF800, s12;
	s12 =	sadd.s32 $0x3D5000, s31  }
.LBB2_1:
0x11: {  	[tilespmem:s2], [sflag:$0x3] =	stream.linear.gather [hbm4b:s6+s2], $0x80, $0x38;
	[tilespmem:$0x12080] =	vst v63  }
0x12: {  	_ =	swait.ge [sflag:s13], $0x80  }
0x13: {  	[sflag:s13] =	ssyncset.done $0x0  }
0x14: {  	[sflag:s13] =	ssyncadd.s32 $0xFFFFFF80  }
0x15: {  	[tilespmem:s14], [sflag:$0x1] =	stream.indirect.gather [hbm4b:s3+s14], $0x40, s2, s14, $0xb8;
	[tilespmem:$0x12080] =	vst v63  }
0x16: {  	_ =	swait.ge [sflag:s15], $0x2000  }
0x17: {  	[sflag:s15] =	ssyncset.done $0x0  }
0x18: {  	[sflag:s15] =	ssyncadd.s32 $0xFFFFE000  }
0x19: {  	[hbm4b:s7+s2] =	stream.linear.scatter [tilespmem:s14], [sflag:$0x3], $0x2000, $0x38;
	[tilespmem:$0x12080] =	vst v63  }
0x1a: {  	_ =	swait.ge [sflag:s13], $0x2000  }
0x1b: {  	[sflag:s13] =	ssyncset.done $0x0  }
0x1c: {  	[sflag:s13] =	ssyncadd.s32 $0xFFFFE000  }
0x1d: {  	[tilespmem:s16], [sflag:$0x1] =	stream.indirect.gather [hbm4b:s4+s14], $0x40, s2, s14, $0xb8;
	[tilespmem:$0x12080] =	vst v63  }
0x1e: {  	_ =	swait.ge [sflag:s15], $0x2000  }
0x1f: {  	[sflag:s15] =	ssyncset.done $0x0  }
0x20: {  	[sflag:s15] =	ssyncadd.s32 $0xFFFFE000  }
0x21: {  	[hbm4b:s8+s2] =	stream.linear.scatter [tilespmem:s16], [sflag:$0x3], $0x2000, $0x38;
	[tilespmem:$0x12080] =	vst v63  }
0x22: {  	_ =	swait.ge [sflag:s13], $0x2000  }
0x23: {  	[sflag:s13] =	ssyncset.done $0x0  }
0x24: {  	[sflag:s13] =	ssyncadd.s32 $0xFFFFE000  }
0x25: {  	[tilespmem:s2], [sflag:$0x3] =	stream.linear.gather [hbm4b:s9+s2], $0x80, $0x38;
	[tilespmem:$0x12080] =	vst v63  }
0x26: {  	_ =	swait.ge [sflag:s13], $0x80  }
0x27: {  	[sflag:s13] =	ssyncset.done $0x0  }
0x28: {  	[sflag:s13] =	ssyncadd.s32 $0xFFFFFF80  }
0x29: {  	[tilespmem:s16], [sflag:$0x1] =	stream.indirect.gather [hbm4b:s5+s14], $0x40, s2, s14, $0xb8;
	[tilespmem:$0x12080] =	vst v63  }
0x2a: {  	_ =	swait.ge [sflag:s15], $0x2000  }
0x2b: {  	[sflag:s15] =	ssyncset.done $0x0  }
0x2c: {  	[sflag:s15] =	ssyncadd.s32 $0xFFFFE000  }
0x2d: {  	[hbm4b:s10+s2] =	stream.linear.scatter [tilespmem:s16], [sflag:$0x3], $0x2000, $0x38;
	[tilespmem:$0x12080] =	vst v63  }
0x2e: {  	_ =	swait.ge [sflag:s13], $0x2000  }
0x2f: {  	p0 =	por $0x1, $0x1;
	[sflag:s13] =	ssyncset.done $0x0  }
0x30: {  	s21 =	sand.u32 $0x1, s2;
	s20 =	simm.s32 @!p0 $0x2;
	[sflag:s13] =	ssyncadd.s32 $0xFFFFE000  }
0x31: {  	s22 =	simm.s32 $0x7000;
	p1 =	seq.s32 s21, $0x1;
	_ =	swait.ge @!p0 [sflag:s20], $0x7000  }
0x32: {  	s22 =	simm.s32 @!p1 $0x0;
	[sflag:s20] =	ssyncset.done @!p0 $0x0  }
0x33: {  	s25 =	simm.s32 $0x80;
	s21 =	sadd.s32 $0x4080, s22;
	[sflag:s20] =	ssyncadd.s32 @!p0 $0xFFFF9000  }
0x34: {  	[tilespmem:s21], [sflag:$0x1] =	stream.indirect.gather [hbm4b:s5+s17], $0x40, s25, s17, $0xb8;
	[tilespmem:$0x12080] =	vst v63  }
0x35: {  	s23 =	simm.s32 $0xC0;
	s26 =	sadd.s32 $0x4E80, s22  }
0x36: {  	[tilespmem:s26], [sflag:$0x1] =	stream.indirect.gather [hbm4b:s5+s17], $0x40, s23, s17, $0xb8;
	[tilespmem:$0x12080] =	vst v63  }
0x37: {  	s29 =	simm.s32 $0x100;
	s28 =	sadd.s32 $0x5C80, s22  }
0x38: {  	[tilespmem:s28], [sflag:$0x1] =	stream.indirect.gather [hbm4b:s5+s17], $0x40, s29, s17, $0xb8;
	[tilespmem:$0x12080] =	vst v63  }
0x39: {  	s31 =	simm.s32 $0x140;
	s30 =	sadd.s32 $0x6A80, s22  }
0x3a: {  	[tilespmem:s30], [sflag:$0x1] =	stream.indirect.gather [hbm4b:s5+s17], $0x40, s31, s17, $0xb8;
	[tilespmem:$0x12080] =	vst v63  }
0x3b: {  	s24 =	simm.s32 $0x180;
	s23 =	sadd.s32 $0x7880, s22  }
0x3c: {  	[tilespmem:s23], [sflag:$0x1] =	stream.indirect.gather [hbm4b:s5+s17], $0x40, s24, s17, $0xb8;
	[tilespmem:$0x12080] =	vst v63  }
0x3d: {  	s25 =	sor.u32 $0x8680, s22;
	s26 =	simm.s32 $0x1C0  }
0x3e: {  	[tilespmem:s25], [sflag:$0x1] =	stream.indirect.gather [hbm4b:s5+s17], $0x40, s26, s17, $0xb8;
	[tilespmem:$0x12080] =	vst v63  }
0x3f: {  	s28 =	sadd.s32 $0x9480, s22;
	s29 =	simm.s32 $0x200  }
0x40: {  	[tilespmem:s28], [sflag:$0x1] =	stream.indirect.gather [hbm4b:s5+s17], $0x40, s29, s17, $0xb8;
	[tilespmem:$0x12080] =	vst v63  }
0x41: {  	s30 =	sadd.s32 $0xA280, s22;
	s31 =	simm.s32 $0x240  }
0x42: {  	[tilespmem:s30], [sflag:$0x1] =	stream.indirect.gather [hbm4b:s5+s17], $0x40, s31, s17, $0xb8;
	[tilespmem:$0x12080] =	vst v63  }
0x43: {  	_ =	swait.ge [sflag:s15], $0xE00  }
0x44: {  	[sflag:s15] =	ssyncset.done $0x0  }
0x45: {  	[sflag:s15] =	ssyncadd.s32 $0xFFFFF200  }
0x46: {  	_ =	swait.ge [sflag:s15], $0xE00  }
0x47: {  	[sflag:s15] =	ssyncset.done $0x0  }
0x48: {  	[sflag:s15] =	ssyncadd.s32 $0xFFFFF200  }
0x49: {  	_ =	swait.ge [sflag:s15], $0xE00  }
0x4a: {  	[sflag:s15] =	ssyncset.done $0x0  }
0x4b: {  	[sflag:s15] =	ssyncadd.s32 $0xFFFFF200  }
0x4c: {  	_ =	swait.ge [sflag:s15], $0xE00  }
0x4d: {  	[sflag:s15] =	ssyncset.done $0x0  }
0x4e: {  	[sflag:s15] =	ssyncadd.s32 $0xFFFFF200  }
0x4f: {  	_ =	swait.ge [sflag:s15], $0xE00  }
0x50: {  	[sflag:s15] =	ssyncset.done $0x0  }
0x51: {  	[sflag:s15] =	ssyncadd.s32 $0xFFFFF200  }
0x52: {  	_ =	swait.ge [sflag:s15], $0xE00  }
0x53: {  	[sflag:s15] =	ssyncset.done $0x0  }
0x54: {  	[sflag:s15] =	ssyncadd.s32 $0xFFFFF200  }
0x55: {  	_ =	swait.ge [sflag:s15], $0xE00  }
0x56: {  	[sflag:s15] =	ssyncset.done $0x0  }
0x57: {  	p1 =	por $0x1, $0x1;
	s20 =	sadd.s32 $0xE00, s12;
	[sflag:s15] =	ssyncadd.s32 $0xFFFFF200  }
0x58: {  	s22 =	simm.s32 $0x1;
	s24 =	simm.s32 $0x800;
	_ =	swait.ge [sflag:s15], $0xE00  }
0x59: {  	s23 =	simm.s32 $0x1000;
	s25 =	smov.u32 s12;
	[sflag:s15] =	ssyncset.done $0x0  }
.LBB2_2:
0x5a: {  	s26 =	simm.s32 @!p1 $0x2;
	s28 =	sand.u32 $0x1, s22  }
0x5b: {  	[sflag:s15] =	ssyncadd.s32 $0xFFFFF200;
	s29 =	smov.u32 s23;
	s23 =	sadd.s32 $0x800, s23  }
0x5c: {  	[hbm4b:s25+s2] =	stream.linear.scatter [tilespmem:s21], [sflag:$0x2], $0x7000, $0x38;
	[tilespmem:$0x12080] =	vst v63  }
0x5d: {  	p0 =	seq.s32 s28, $0x1;
	s28 =	simm.s32 $0x7000;
	_ =	swait.ge @!p1 [sflag:s26], $0x7000  }
0x5e: {  	s30 =	sshra.s32 s24, $0x2;
	s28 =	simm.s32 @!p0 $0x0;
	[sflag:s26] =	ssyncset.done @!p1 $0x0  }
0x5f: {  	s24 =	sadd.s32 $0x80, s30;
	s21 =	sadd.s32 $0x4080, s28;
	[sflag:s26] =	ssyncadd.s32 @!p1 $0xFFFF9000  }
0x60: {  	[tilespmem:s21], [sflag:$0x1] =	stream.indirect.gather [hbm4b:s5+s17], $0x40, s24, s17, $0xb8;
	[tilespmem:$0x12080] =	vst v63  }
0x61: {  	s25 =	sadd.s32 $0xC0, s30;
	p0 =	sne.s32 s23, $0x8000;
	s24 =	sadd.s32 $0x4E80, s28  }
0x62: {  	[tilespmem:s24], [sflag:$0x1] =	stream.indirect.gather [hbm4b:s5+s17], $0x40, s25, s17, $0xb8;
	[tilespmem:$0x12080] =	vst v63  }
0x63: {  	s26 =	sadd.s32 $0x100, s30;
	s25 =	sadd.s32 $0x5C80, s28;
	s24 =	smov.u32 s29  }
0x64: {  	[tilespmem:s25], [sflag:$0x1] =	stream.indirect.gather [hbm4b:s5+s17], $0x40, s26, s17, $0xb8;
	[tilespmem:$0x12080] =	vst v63  }
0x65: {  	s29 =	sadd.s32 $0x140, s30;
	s26 =	sadd.s32 $0x6A80, s28;
	s25 =	smov.u32 s20  }
0x66: {  	[tilespmem:s26], [sflag:$0x1] =	stream.indirect.gather [hbm4b:s5+s17], $0x40, s29, s17, $0xb8;
	[tilespmem:$0x12080] =	vst v63  }
0x67: {  	s26 =	sadd.s32 $0x7880, s28;
	s29 =	sadd.s32 $0x180, s30  }
0x68: {  	[tilespmem:s26], [sflag:$0x1] =	stream.indirect.gather [hbm4b:s5+s17], $0x40, s29, s17, $0xb8;
	[tilespmem:$0x12080] =	vst v63  }
0x69: {  	s26 =	sor.u32 $0x8680, s28;
	s29 =	sadd.s32 $0x1C0, s30  }
0x6a: {  	[tilespmem:s26], [sflag:$0x1] =	stream.indirect.gather [hbm4b:s5+s17], $0x40, s29, s17, $0xb8;
	[tilespmem:$0x12080] =	vst v63  }
0x6b: {  	s26 =	sadd.s32 $0x9480, s28;
	s29 =	sadd.s32 $0x200, s30  }
0x6c: {  	[tilespmem:s26], [sflag:$0x1] =	stream.indirect.gather [hbm4b:s5+s17], $0x40, s29, s17, $0xb8;
	[tilespmem:$0x12080] =	vst v63  }
0x6d: {  	s26 =	sadd.s32 $0xA280, s28;
	s28 =	sadd.s32 $0x240, s30  }
0x6e: {  	[tilespmem:s26], [sflag:$0x1] =	stream.indirect.gather [hbm4b:s5+s17], $0x40, s28, s17, $0xb8;
	[tilespmem:$0x12080] =	vst v63  }
0x6f: {  	_ =	swait.ge [sflag:s15], $0xE00  }
0x70: {  	[sflag:s15] =	ssyncset.done $0x0  }
0x71: {  	[sflag:s15] =	ssyncadd.s32 $0xFFFFF200  }
0x72: {  	_ =	swait.ge [sflag:s15], $0xE00  }
0x73: {  	[sflag:s15] =	ssyncset.done $0x0  }
0x74: {  	[sflag:s15] =	ssyncadd.s32 $0xFFFFF200  }
0x75: {  	_ =	swait.ge [sflag:s15], $0xE00  }
0x76: {  	[sflag:s15] =	ssyncset.done $0x0  }
0x77: {  	[sflag:s15] =	ssyncadd.s32 $0xFFFFF200  }
0x78: {  	_ =	swait.ge [sflag:s15], $0xE00  }
0x79: {  	[sflag:s15] =	ssyncset.done $0x0  }
0x7a: {  	[sflag:s15] =	ssyncadd.s32 $0xFFFFF200  }
0x7b: {  	_ =	swait.ge [sflag:s15], $0xE00  }
0x7c: {  	[sflag:s15] =	ssyncset.done $0x0  }
0x7d: {  	[sflag:s15] =	ssyncadd.s32 $0xFFFFF200  }
0x7e: {  	_ =	swait.ge [sflag:s15], $0xE00  }
0x7f: {  	[sflag:s15] =	ssyncset.done $0x0  }
0x80: {  	[sflag:s15] =	ssyncadd.s32 $0xFFFFF200  }
.Ltmp0:
0x81: {  	_ =	swait.ge [sflag:s15], $0xE00;
	(pc) =	sbr.rel @p0 .LBB2_2-.Ltmp0, $4  }
0x82: {  	[sflag:s15] =	ssyncset.done $0x0  }
0x83: {  	[sflag:s15] =	ssyncadd.s32 $0xFFFFF200  }
0x84: {  	s22 =	sadd.s32 $0x1, s22;
	_ =	swait.ge [sflag:s15], $0xE00  }
0x85: {  	p1 =	slt.u32 s22, $0x2;
	s20 =	sadd.s32 $0xE00, s20;
	[sflag:s15] =	ssyncset.done $0x0  }
0x86: {  	s23 =	simm.s32 @!p1 $0x2;
	s22 =	sand.u32 $0x1, s22;
	[sflag:s15] =	ssyncadd.s32 $0xFFFFF200  }
0x87: {  	[hbm4b:s25+s2] =	stream.linear.scatter [tilespmem:s21], [sflag:$0x2], $0x7000, $0x38;
	[tilespmem:$0x12080] =	vst v63  }
0x88: {  	p0 =	seq.s32 s22, $0x1;
	s21 =	simm.s32 $0x7000;
	_ =	swait.ge @!p1 [sflag:s23], $0x7000  }
0x89: {  	s22 =	sshra.s32 s24, $0x2;
	s21 =	simm.s32 @!p0 $0x0;
	[sflag:s23] =	ssyncset.done @!p1 $0x0  }
0x8a: {  	s24 =	sadd.s32 $0x80, s22;
	[sflag:s23] =	ssyncadd.s32 @!p1 $0xFFFF9000;
	s23 =	sadd.s32 $0x4080, s21  }
0x8b: {  	[tilespmem:s23], [sflag:$0x1] =	stream.indirect.gather [hbm4b:s5+s17], $0x40, s24, s17, $0xb8;
	[tilespmem:$0x12080] =	vst v63  }
0x8c: {  	s26 =	sadd.s32 $0xC0, s22;
	s25 =	sadd.s32 $0x4E80, s21  }
0x8d: {  	[tilespmem:s25], [sflag:$0x1] =	stream.indirect.gather [hbm4b:s5+s17], $0x40, s26, s17, $0xb8;
	[tilespmem:$0x12080] =	vst v63  }
0x8e: {  	s29 =	sadd.s32 $0x100, s22;
	s28 =	sadd.s32 $0x5C80, s21  }
0x8f: {  	[tilespmem:s28], [sflag:$0x1] =	stream.indirect.gather [hbm4b:s5+s17], $0x40, s29, s17, $0xb8;
	[tilespmem:$0x12080] =	vst v63  }
0x90: {  	s31 =	sadd.s32 $0x140, s22;
	s30 =	sadd.s32 $0x6A80, s21  }
0x91: {  	[tilespmem:s30], [sflag:$0x1] =	stream.indirect.gather [hbm4b:s5+s17], $0x40, s31, s17, $0xb8;
	[tilespmem:$0x12080] =	vst v63  }
0x92: {  	s25 =	sadd.s32 $0x7880, s21;
	s26 =	sadd.s32 $0x180, s22  }
0x93: {  	[tilespmem:s25], [sflag:$0x1] =	stream.indirect.gather [hbm4b:s5+s17], $0x40, s26, s17, $0xb8;
	[tilespmem:$0x12080] =	vst v63  }
0x94: {  	s28 =	sor.u32 $0x8680, s21;
	s29 =	sadd.s32 $0x1C0, s22  }
0x95: {  	[tilespmem:s28], [sflag:$0x1] =	stream.indirect.gather [hbm4b:s5+s17], $0x40, s29, s17, $0xb8;
	[tilespmem:$0x12080] =	vst v63  }
0x96: {  	s30 =	sadd.s32 $0x9480, s21;
	s31 =	sadd.s32 $0x200, s22  }
0x97: {  	[tilespmem:s30], [sflag:$0x1] =	stream.indirect.gather [hbm4b:s5+s17], $0x40, s31, s17, $0xb8;
	[tilespmem:$0x12080] =	vst v63  }
0x98: {  	s21 =	sadd.s32 $0xA280, s21;
	s22 =	sadd.s32 $0x240, s22  }
0x99: {  	[tilespmem:s21], [sflag:$0x1] =	stream.indirect.gather [hbm4b:s5+s17], $0x40, s22, s17, $0xb8;
	[tilespmem:$0x12080] =	vst v63  }
0x9a: {  	_ =	swait.ge [sflag:s15], $0xE00  }
0x9b: {  	[sflag:s15] =	ssyncset.done $0x0  }
0x9c: {  	[sflag:s15] =	ssyncadd.s32 $0xFFFFF200  }
0x9d: {  	_ =	swait.ge [sflag:s15], $0xE00  }
0x9e: {  	[sflag:s15] =	ssyncset.done $0x0  }
0x9f: {  	[sflag:s15] =	ssyncadd.s32 $0xFFFFF200  }
0xa0: {  	_ =	swait.ge [sflag:s15], $0xE00  }
0xa1: {  	[sflag:s15] =	ssyncset.done $0x0  }
0xa2: {  	[sflag:s15] =	ssyncadd.s32 $0xFFFFF200  }
0xa3: {  	_ =	swait.ge [sflag:s15], $0xE00  }
0xa4: {  	[sflag:s15] =	ssyncset.done $0x0  }
0xa5: {  	[sflag:s15] =	ssyncadd.s32 $0xFFFFF200  }
0xa6: {  	_ =	swait.ge [sflag:s15], $0xE00  }
0xa7: {  	[sflag:s15] =	ssyncset.done $0x0  }
0xa8: {  	[sflag:s15] =	ssyncadd.s32 $0xFFFFF200  }
0xa9: {  	_ =	swait.ge [sflag:s15], $0xE00  }
0xaa: {  	[sflag:s15] =	ssyncset.done $0x0  }
0xab: {  	[sflag:s15] =	ssyncadd.s32 $0xFFFFF200  }
0xac: {  	_ =	swait.ge [sflag:s15], $0xE00  }
0xad: {  	[sflag:s15] =	ssyncset.done $0x0  }
0xae: {  	[sflag:s15] =	ssyncadd.s32 $0xFFFFF200  }
0xaf: {  	_ =	swait.ge [sflag:s15], $0xE00  }
0xb0: {  	[sflag:s15] =	ssyncset.done $0x0  }
0xb1: {  	s19 =	sadd.s32 $0x1, s19;
	[sflag:s15] =	ssyncadd.s32 $0xFFFFF200  }
0xb2: {  	[hbm4b:s20+s2] =	stream.linear.scatter [tilespmem:s23], [sflag:$0x2], $0x7000, $0x38;
	[tilespmem:$0x12080] =	vst v63  }
0xb3: {  	p0 =	sne.s32 s19, s11;
	_ =	swait.ge [sflag:s18], $0x7000  }
.Ltmp1:
0xb4: {  	[sflag:s18] =	ssyncset.done $0x0;
	(pc) =	sbr.rel @p0 .LBB2_1-.Ltmp1, $4  }
0xb5: {  	[sflag:s18] =	ssyncadd.s32 $0xFFFF9000  }
0xb6: {  	_ =	swait.ge [sflag:s18], $0x7000  }
0xb7: {  	[sflag:s18] =	ssyncset.done $0x0  }
0xb8: {  	[sflag:s18] =	ssyncadd.s32 $0xFFFF9000  }
0xb9: {  	_ =	sfence.sel $0x180000  }
0xba: {  	[bflag:$0x0] =	sbarrier.arrive $0xFFFF  }
0xbb: {  	p0 =	sne.s32 s1, $0x0;
	_ =	strace $0x90000047  }
0xbc: {  	s0 =	sadd.s32 @!p0 $0x100000, s0;
	[bflag:$0x2] =	sbarrier.arrive $0xFFFF  }
0xbd: {  	[sflag:s0] =	ssyncadd.tile.s32 @!p0 $0x1;
	_ =	shalt  }
.Lfunc_end2:
_tile_overlayer_lowered:
.L_overlay_start_2:
0xbe: {  	(tag) =	ssettag $0x2  }
0xbf: {  	s0 =	rddreg [dreg:$0x0];
	s2 =	stileid.u32  }
0xc0: {  	s1 =	rddreg [dreg:$0x1];
	p0 =	sne.s32 s2, $0x0  }
0xc1: {  	s3 =	rddreg [dreg:$0x2];
	[bflag:$0x3] =	sbarrier.arrive $0xFFFF;
	s2 =	simm.s32 @!p0 $0x1C03  }
0xc2: {  	[timem:s3], [sflag:s2] =	dma.local @!p0 [hbm:s0], s1  }
0xc3: {  	s0 =	simm.s32 @!p0 $0x3  }
0xc4: {  	_ =	swait.ge @!p0 [sflag:s0], s1  }
0xc5: {  	s1 =	ssub.s32 @!p0 $0x0, s1;
	[sflag:s0] =	ssyncset.done @!p0 $0x0  }
0xc6: {  	[sflag:s0] =	ssyncadd.s32 @!p0 s1  }
0xc7: {  	[bflag:$0x3] =	sbarrier.arrive $0xFFFF  }
0xc8: {  	_ =	shalt  }

</sc_bundles>
